<compile_context>
chip_gen: v7x
topology: tpu7x:2x2x1
jax: 0.10.2.dev20260603
libtpu: 0.0.44.dev20260713+nightly
codegen_flags: <defaults>
</compile_context>

<pallas_src>
import jax
import jax.numpy as jnp
from jax import lax
from jax.experimental import pallas as pl
from jax.experimental.pallas import tpu as pltpu
from jax.experimental.pallas import tpu_sc as plsc

N_U = 50000
N_I = 50000
N_E = 800000
D = 64

PAD_U = 50176
HALF = PAD_U // 2
STRIPE = HALF // 16
ACC_ROWS = HALF + 16
DUMMY = HALF
C = 128
SUP = 8
SUPE = C * SUP
RING = 3
EPAD = 2048
BM = 3136


def _mlp_norm_body(x_ref, w1_ref, b1_ref, w2_ref, b2_ref, o_ref):
    x = x_ref[...]
    h = jnp.dot(x, w1_ref[...], preferred_element_type=jnp.float32)
    h = jnp.maximum(h + b1_ref[...], 0.0)
    f = jnp.dot(h, w2_ref[...], preferred_element_type=jnp.float32)
    f = f + b2_ref[...]
    n = jnp.sqrt(jnp.sum(f * f, axis=-1, keepdims=True))
    o_ref[...] = f / jnp.maximum(n, 1e-12)


def _l2norm_body(x_ref, o_ref):
    x = x_ref[...]
    n = jnp.sqrt(jnp.sum(x * x, axis=-1, keepdims=True))
    o_ref[...] = x / jnp.maximum(n, 1e-12)


def _mlp_norm(x, W1, b1, W2, b2):
    n_rows = x.shape[0]
    k_in = W1.shape[0]
    hid = W1.shape[1]
    return pl.pallas_call(
        _mlp_norm_body,
        grid=(pl.cdiv(n_rows, BM),),
        in_specs=[
            pl.BlockSpec((BM, k_in), lambda i: (i, 0)),
            pl.BlockSpec((k_in, hid), lambda i: (0, 0)),
            pl.BlockSpec((1, hid), lambda i: (0, 0)),
            pl.BlockSpec((hid, D), lambda i: (0, 0)),
            pl.BlockSpec((1, D), lambda i: (0, 0)),
        ],
        out_specs=pl.BlockSpec((BM, D), lambda i: (i, 0)),
        out_shape=jax.ShapeDtypeStruct((n_rows, D), jnp.float32),
    )(x, W1, b1.reshape(1, -1), W2, b2.reshape(1, -1))


def _l2norm(x, n_out):
    bm = 3584
    return pl.pallas_call(
        _l2norm_body,
        grid=(pl.cdiv(x.shape[0], bm),),
        in_specs=[pl.BlockSpec((bm, D), lambda i: (i, 0))],
        out_specs=pl.BlockSpec((bm, D), lambda i: (i, 0)),
        out_shape=jax.ShapeDtypeStruct((n_out, D), jnp.float32),
    )(x)


def _spmm_body(fn_hbm, col_hbm, row_hbm, bounds_hbm, out_hbm,
               bounds_v, colb_v, rowb_v, colr_v, locr_v, rows_v,
               acc_sh, gsem, ssem):
    c = lax.axis_index("c")
    s = lax.axis_index("s")
    w = c * 16 + s
    iota = lax.iota(jnp.int32, 16)

    def _zb(r, carry):
        for jj in range(D // 16):
            rows_v[0, r, pl.ds(jj * 16, 16)] = jnp.zeros((16,),
                                                         jnp.float32)
        return carry
    lax.fori_loop(0, C, _zb, 0)
    base_r = s * STRIPE
    zsrc = rows_v.at[0]
    for k in range(STRIPE // C):
        pltpu.sync_copy(zsrc, acc_sh.at[pl.ds(base_r + k * C, C)])
    rem = STRIPE % C
    if rem:
        pltpu.sync_copy(zsrc.at[pl.ds(0, rem)],
                        acc_sh.at[pl.ds(base_r + (STRIPE // C) * C, rem)])
    plsc.subcore_barrier()

    pltpu.sync_copy(bounds_hbm, bounds_v)
    e_start = bounds_v[pl.ds(w, 16)][0]
    e_end = bounds_v[pl.ds(32 + w, 16)][0]
    e0 = (e_start // 8) * 8
    nch = (e_end - e0 + (C - 1)) // C

    def _bulk(j):
        sb = e0 + (j // SUP) * SUPE
        pltpu.sync_copy(col_hbm.at[pl.ds(sb, SUPE)], colb_v)
        pltpu.sync_copy(row_hbm.at[pl.ds(sb, SUPE)], rowb_v)

    def _fix(j, slot):
        koff = lax.rem(j, SUP) * C
        base = e0 + j * C

        def _fi(i, cc):
            cv = colb_v[pl.ds(koff + i * 16, 16)]
            rv = rowb_v[pl.ds(koff + i * 16, 16)]
            eid = base + i * 16 + iota
            m = (eid >= e_start) & (eid < e_end)
            colr_v[slot, pl.ds(i * 16, 16)] = jnp.where(m, cv, 0)
            locr_v[slot, pl.ds(i * 16, 16)] = jnp.where(m, rv, DUMMY)
            return cc
        lax.fori_loop(0, C // 16, _fi, 0)

    def _wait_scatter(slot):
        pltpu.make_async_copy(rows_v.at[slot], acc_sh.at[locr_v.at[slot]],
                              ssem.at[slot]).wait()

    _bulk(jnp.int32(0))
    _fix(jnp.int32(0), 0)
    pltpu.async_copy(fn_hbm.at[colr_v.at[0]], rows_v.at[0], gsem.at[0])

    def _chunk(j, carry):
        sa = lax.rem(j, RING)
        sb = lax.rem(j + 1, RING)

        @pl.when(j >= 2)
        def _():
            _wait_scatter(sb)

        @pl.when(lax.rem(j + 1, SUP) == 0)
        def _():
            _bulk(j + 1)
        _fix(j + 1, sb)
        pltpu.async_copy(fn_hbm.at[colr_v.at[sb]], rows_v.at[sb],
                         gsem.at[sb])
        pltpu.make_async_copy(fn_hbm.at[colr_v.at[sa]], rows_v.at[sa],
                              gsem.at[sa]).wait()
        pltpu.async_copy(rows_v.at[sa], acc_sh.at[locr_v.at[sa]],
                         ssem.at[sa], add=True)
        return carry
    lax.fori_loop(0, nch, _chunk, 0)

    fin = lax.rem(nch, RING)
    pltpu.make_async_copy(fn_hbm.at[colr_v.at[fin]], rows_v.at[fin],
                          gsem.at[fin]).wait()

    @pl.when(nch > 1)
    def _():
        _wait_scatter(lax.rem(nch - 2, RING))

    @pl.when(nch > 0)
    def _():
        _wait_scatter(lax.rem(nch - 1, RING))
    plsc.subcore_barrier()

    sc_base = c * HALF
    pltpu.sync_copy(acc_sh.at[pl.ds(base_r, STRIPE)],
                    out_hbm.at[pl.ds(sc_base + base_r, STRIPE)])


_spmm = pl.kernel(
    _spmm_body,
    out_type=jax.ShapeDtypeStruct((PAD_U, D), jnp.float32),
    mesh=plsc.VectorSubcoreMesh(core_axis_name="c", subcore_axis_name="s"),
    compiler_params=pltpu.CompilerParams(use_tc_tiling_on_sc=False),
    scratch_types=[
        pltpu.VMEM((80,), jnp.int32),
        pltpu.VMEM((SUPE,), jnp.int32),
        pltpu.VMEM((SUPE,), jnp.int32),
        pltpu.VMEM((RING, C), jnp.int32),
        pltpu.VMEM((RING, C), jnp.int32),
        pltpu.VMEM((RING, C, D), jnp.float32),
        pltpu.VMEM_SHARED((ACC_ROWS, D), jnp.float32),
        pltpu.SemaphoreType.DMA((RING,)),
        pltpu.SemaphoreType.DMA((RING,)),
    ],
)


def kernel(teacher_input, W1, b1, W2, b2, edge_row, edge_col):
    fn = _mlp_norm(teacher_input, W1, b1, W2, b2)

    em = jnp.sum((edge_row < HALF).astype(jnp.int32)).astype(jnp.int32)
    t = jnp.arange(16, dtype=jnp.int32)
    sz0 = (em + 15) // 16
    sz1 = (N_E - em + 15) // 16
    s0 = jnp.minimum(t * sz0, em)
    e0 = jnp.minimum(s0 + sz0, em)
    s1 = jnp.minimum(em + t * sz1, N_E)
    e1 = jnp.minimum(s1 + sz1, N_E)
    bounds = jnp.concatenate(
        [s0, s1, e0, e1, jnp.zeros((16,), jnp.int32)]).astype(jnp.int32)

    rowloc = jnp.where(edge_row < HALF, edge_row, edge_row - HALF)
    colp = jnp.pad(edge_col, (0, EPAD))
    rowp = jnp.pad(rowloc, (0, EPAD))

    uv = _spmm(fn, colp, rowp, bounds)
    out1 = _l2norm(uv, N_U)
    return out1, fn

# --- scband reference (transcript-rebuilt; emitter-appended) ---
"""Pipeline reference for scband-student-learner-13314398617931 (READ-ONLY COPY).

The authoritative reference and input builder live on the scoring server;
editing this copy changes nothing except your own understanding.
"""

import jax, jax.numpy as jnp
import numpy as np

N_USERS = 50000
N_ITEMS = 50000
N_EDGES = 800000
TEACHER_DIM = 256
HIDDEN = 128
EMB = 64


def l2norm(x):
    # matches torch F.normalize(p=2, dim=-1, eps=1e-12): x / max(||x||, eps)
    return x / jnp.maximum(jnp.linalg.norm(x, axis=-1, keepdims=True), 1e-12)


def setup_inputs(seed: int = 0) -> dict:
    key = jax.random.key(seed)
    ks = jax.random.split(key, 6)
    teacher_input = jax.random.normal(ks[0], (N_ITEMS, TEACHER_DIM), dtype=jnp.float32)
    # final_layer = Linear(teacher_dim, hidden) -> ReLU -> Linear(hidden, emb)
    W1 = jax.random.normal(ks[1], (TEACHER_DIM, HIDDEN), dtype=jnp.float32) * (1.0 / np.sqrt(TEACHER_DIM))
    b1 = jnp.zeros((HIDDEN,), dtype=jnp.float32)
    W2 = jax.random.normal(ks[2], (HIDDEN, EMB), dtype=jnp.float32) * (1.0 / np.sqrt(HIDDEN))
    b2 = jnp.zeros((EMB,), dtype=jnp.float32)
    # COO of data.interaction_mat (users x items); row-normalized inside reference
    edge_row = jnp.sort(jax.random.randint(ks[3], (N_EDGES,), 0, N_USERS, dtype=jnp.int32))
    edge_col = jax.random.randint(ks[4], (N_EDGES,), 0, N_ITEMS, dtype=jnp.int32)
    return {"teacher_input": teacher_input, "W1": W1, "b1": b1, "W2": W2, "b2": b2,
            "edge_row": edge_row, "edge_col": edge_col}


def reference(teacher_input, W1, b1, W2, b2, edge_row, edge_col):
    # final_layer MLP
    h = jax.nn.relu(teacher_input @ W1 + b1)
    feats_out = h @ W2 + b2
    fn = l2norm(feats_out)
    # inter_mat_scaled = interaction_mat / interaction_mat.sum(axis=1)  (row-normalize)
    deg = jnp.bincount(edge_row, length=N_USERS).astype(jnp.float32)
    inv_deg = 1.0 / jnp.maximum(deg, 1.0)
    vals = inv_deg[edge_row]
    # user_vecs = torch.sparse.mm(A_scaled, F.normalize(feats_out)) -> gather + scatter-add
    msgs = vals[:, None] * jnp.take(fn, edge_col, axis=0)
    user_vecs = jax.ops.segment_sum(msgs, edge_row, num_segments=N_USERS)
    return (l2norm(user_vecs), fn)

if __name__ == "__main__":
    import jax
    _d = setup_inputs()
    print(jax.jit(kernel)(*tuple(_d.values())))

</pallas_src>

<mosaic_0001>
#map = affine_map<(d0, d1) -> (0, 0)>
#map1 = affine_map<(d0, d1) -> (0)>
module attributes {stable_mosaic.version = 14 : i64} {
  func.func @_spmm_body(%arg0: i32, %arg1: i32, %arg2: memref<50000x64xf32, #tpu.memory_space<hbm>>, %arg3: memref<802048xi32, #tpu.memory_space<hbm>>, %arg4: memref<802048xi32, #tpu.memory_space<hbm>>, %arg5: memref<80xi32, #tpu.memory_space<hbm>>, %arg6: memref<50176x64xf32, #tpu.memory_space<hbm>>, %arg7: memref<80xi32, #tpu.memory_space<vmem>>, %arg8: memref<1024xi32, #tpu.memory_space<vmem>>, %arg9: memref<1024xi32, #tpu.memory_space<vmem>>, %arg10: memref<3x128xi32, #tpu.memory_space<vmem>>, %arg11: memref<3x128xi32, #tpu.memory_space<vmem>>, %arg12: memref<3x128x64xf32, #tpu.memory_space<vmem>>, %arg13: memref<25104x64xf32, #tpu.memory_space<vmem_shared>>, %arg14: memref<3x!tpu.dma_semaphore, #tpu.memory_space<semaphore_mem>>, %arg15: memref<3x!tpu.dma_semaphore, #tpu.memory_space<semaphore_mem>>) attributes {dimension_semantics = [#tpu.dimension_semantics<core_parallel>, #tpu.dimension_semantics<subcore_parallel>], iteration_bounds = array<i64: 2, 16>, scalar_prefetch = 0 : i64, scratch_operands = 9 : i64, tpu.core_type = #tpu.core_type<sc_vector_subcore>, window_params = [{transform_indices = #map}, {transform_indices = #map1}, {transform_indices = #map1}, {transform_indices = #map1}, {transform_indices = #map}]} {
    %mul3A = arith.constant 16 : i32
    %mul3A_0 = arith.muli %arg0, %mul3A : i32
    %add3A = arith.addi %mul3A_0, %arg1 : i32
    %iota3A = tpu.iota {dimensions = array<i32: 0>} : vector<16xi32>
    %scan3A = arith.constant 0 : i32
    %scan3A_1 = arith.constant 0 : i32
    %scan3A_2 = arith.constant 128 : i32
    %scan3A_3 = arith.addi %scan3A_1, %scan3A_2 : i32
    %scan3A_4 = arith.constant 1 : i32
    scf.for %scan3A_190 = %scan3A_1 to %scan3A_3 step %scan3A_4  : i32 {
      %broadcast_in_dim3A = arith.constant 0.000000e+00 : f32
      %broadcast_in_dim3A_191 = vector.broadcast %broadcast_in_dim3A : f32 to vector<16xf32>
      %swap3A = arith.constant 0 : i32
      %swap3A_192 = arith.index_cast %swap3A : i32 to index
      %swap3A_193 = arith.index_cast %scan3A_190 : i32 to index
      %swap3A_194 = arith.constant 0 : index
      %swap3A_195 = tpu.vector_load %arg12[%swap3A_192, %swap3A_193, %swap3A_194] {strides = array<i32>} : memref<3x128x64xf32, #tpu.memory_space<vmem>>, vector<1x1x16xf32>,
      %swap3A_196 = vector.shape_cast %swap3A_195 : vector<1x1x16xf32> to vector<16xf32>
      %swap3A_197 = vector.shape_cast %broadcast_in_dim3A_191 : vector<16xf32> to vector<1x1x16xf32>
      tpu.vector_store %arg12[%swap3A_192, %swap3A_193, %swap3A_194], %swap3A_197 {strides = array<i32>} : memref<3x128x64xf32, #tpu.memory_space<vmem>>, vector<1x1x16xf32>,
      %broadcast_in_dim3A_198 = arith.constant 0.000000e+00 : f32
      %broadcast_in_dim3A_199 = vector.broadcast %broadcast_in_dim3A_198 : f32 to vector<16xf32>
      %swap3A_200 = arith.constant 0 : i32
      %swap3A_201 = arith.index_cast %swap3A_200 : i32 to index
      %swap3A_202 = arith.index_cast %scan3A_190 : i32 to index
      %swap3A_203 = arith.constant 16 : index
      %swap3A_204 = tpu.vector_load %arg12[%swap3A_201, %swap3A_202, %swap3A_203] {strides = array<i32>} : memref<3x128x64xf32, #tpu.memory_space<vmem>>, vector<1x1x16xf32>,
      %swap3A_205 = vector.shape_cast %swap3A_204 : vector<1x1x16xf32> to vector<16xf32>
      %swap3A_206 = vector.shape_cast %broadcast_in_dim3A_199 : vector<16xf32> to vector<1x1x16xf32>
      tpu.vector_store %arg12[%swap3A_201, %swap3A_202, %swap3A_203], %swap3A_206 {strides = array<i32>} : memref<3x128x64xf32, #tpu.memory_space<vmem>>, vector<1x1x16xf32>,
      %broadcast_in_dim3A_207 = arith.constant 0.000000e+00 : f32
      %broadcast_in_dim3A_208 = vector.broadcast %broadcast_in_dim3A_207 : f32 to vector<16xf32>
      %swap3A_209 = arith.constant 0 : i32
      %swap3A_210 = arith.index_cast %swap3A_209 : i32 to index
      %swap3A_211 = arith.index_cast %scan3A_190 : i32 to index
      %swap3A_212 = arith.constant 32 : index
      %swap3A_213 = tpu.vector_load %arg12[%swap3A_210, %swap3A_211, %swap3A_212] {strides = array<i32>} : memref<3x128x64xf32, #tpu.memory_space<vmem>>, vector<1x1x16xf32>,
      %swap3A_214 = vector.shape_cast %swap3A_213 : vector<1x1x16xf32> to vector<16xf32>
      %swap3A_215 = vector.shape_cast %broadcast_in_dim3A_208 : vector<16xf32> to vector<1x1x16xf32>
      tpu.vector_store %arg12[%swap3A_210, %swap3A_211, %swap3A_212], %swap3A_215 {strides = array<i32>} : memref<3x128x64xf32, #tpu.memory_space<vmem>>, vector<1x1x16xf32>,
      %broadcast_in_dim3A_216 = arith.constant 0.000000e+00 : f32
      %broadcast_in_dim3A_217 = vector.broadcast %broadcast_in_dim3A_216 : f32 to vector<16xf32>
      %swap3A_218 = arith.constant 0 : i32
      %swap3A_219 = arith.index_cast %swap3A_218 : i32 to index
      %swap3A_220 = arith.index_cast %scan3A_190 : i32 to index
      %swap3A_221 = arith.constant 48 : index
      %swap3A_222 = tpu.vector_load %arg12[%swap3A_219, %swap3A_220, %swap3A_221] {strides = array<i32>} : memref<3x128x64xf32, #tpu.memory_space<vmem>>, vector<1x1x16xf32>,
      %swap3A_223 = vector.shape_cast %swap3A_222 : vector<1x1x16xf32> to vector<16xf32>
      %swap3A_224 = vector.shape_cast %broadcast_in_dim3A_217 : vector<16xf32> to vector<1x1x16xf32>
      tpu.vector_store %arg12[%swap3A_219, %swap3A_220, %swap3A_221], %swap3A_224 {strides = array<i32>} : memref<3x128x64xf32, #tpu.memory_space<vmem>>, vector<1x1x16xf32>,
    }
    %scan3A_5 = arith.constant 128 : i32
    %mul3A_6 = arith.constant 1568 : i32
    %mul3A_7 = arith.muli %arg1, %mul3A_6 : i32
    %add3A_8 = arith.constant 0 : i32
    %add3A_9 = arith.addi %mul3A_7, %add3A_8 : i32
    %run_scoped3A = arith.constant 0 : i32
    "tpu.region"() ({
      %run_scoped3A_190 = tpu.sem_alloc : memref<!tpu.dma_semaphore, #tpu.memory_space<semaphore_mem>>
      %dma_start3A_191 = arith.constant 0 : i32
      %dma_start3A_192 = arith.constant 0 : i32
      %dma_start3A_193 = tpu.memref_slice %arg12[%run_scoped3A, %dma_start3A_191, %dma_start3A_192] : memref<3x128x64xf32, #tpu.memory_space<vmem>> -> memref<1x128x64xf32, #tpu.memory_space<vmem>>
      %dma_start3A_194 = tpu.memref_squeeze %dma_start3A_193 : memref<1x128x64xf32, #tpu.memory_space<vmem>> -> memref<128x64xf32, #tpu.memory_space<vmem>>
      %dma_start3A_195 = arith.constant 0 : i32
      %dma_start3A_196 = tpu.memref_slice %arg13[%add3A_9, %dma_start3A_195] : memref<25104x64xf32, #tpu.memory_space<vmem_shared>> -> memref<128x64xf32, #tpu.memory_space<vmem_shared>>
      %dma_start3A_197 = arith.constant 0 : i32
      %dma_start3A_198 = tpu.memref_slice %arg13[%add3A_9, %dma_start3A_197] : memref<25104x64xf32, #tpu.memory_space<vmem_shared>> -> memref<128x64xf32, #tpu.memory_space<vmem_shared>>
      %dma_start3A_199 = arith.constant 0 : i32
      %dma_start3A_200 = arith.constant 0 : i32
      %dma_start3A_201 = tpu.memref_slice %arg12[%run_scoped3A, %dma_start3A_199, %dma_start3A_200] : memref<3x128x64xf32, #tpu.memory_space<vmem>> -> memref<1x128x64xf32, #tpu.memory_space<vmem>>
      %dma_start3A_202 = tpu.memref_squeeze %dma_start3A_201 : memref<1x128x64xf32, #tpu.memory_space<vmem>> -> memref<128x64xf32, #tpu.memory_space<vmem>>
      tpu.enqueue_dma source(%dma_start3A_202 : memref<128x64xf32, #tpu.memory_space<vmem>>) target(%dma_start3A_198 : memref<128x64xf32, #tpu.memory_space<vmem_shared>>) target_semaphore(%run_scoped3A_190 : memref<!tpu.dma_semaphore, #tpu.memory_space<semaphore_mem>>)
      %dma_wait3A_203 = arith.constant 0 : i32
      %dma_wait3A_204 = arith.constant 0 : i32
      %dma_wait3A_205 = tpu.memref_slice %arg12[%run_scoped3A, %dma_wait3A_203, %dma_wait3A_204] : memref<3x128x64xf32, #tpu.memory_space<vmem>> -> memref<1x128x64xf32, #tpu.memory_space<vmem>>
      %dma_wait3A_206 = tpu.memref_squeeze %dma_wait3A_205 : memref<1x128x64xf32, #tpu.memory_space<vmem>> -> memref<128x64xf32, #tpu.memory_space<vmem>>
      %dma_wait3A_207 = arith.constant 0 : i32
      %dma_wait3A_208 = tpu.memref_slice %arg13[%add3A_9, %dma_wait3A_207] : memref<25104x64xf32, #tpu.memory_space<vmem_shared>> -> memref<128x64xf32, #tpu.memory_space<vmem_shared>>
      %dma_wait3A_209 = arith.constant 0 : i32
      %dma_wait3A_210 = tpu.memref_slice %arg13[%add3A_9, %dma_wait3A_209] : memref<25104x64xf32, #tpu.memory_space<vmem_shared>> -> memref<128x64xf32, #tpu.memory_space<vmem_shared>>
      %dma_wait3A_211 = arith.constant 0 : i32
      %dma_wait3A_212 = arith.constant 0 : i32
      %dma_wait3A_213 = tpu.memref_slice %arg12[%run_scoped3A, %dma_wait3A_211, %dma_wait3A_212] : memref<3x128x64xf32, #tpu.memory_space<vmem>> -> memref<1x128x64xf32, #tpu.memory_space<vmem>>
      %dma_wait3A_214 = tpu.memref_squeeze %dma_wait3A_213 : memref<1x128x64xf32, #tpu.memory_space<vmem>> -> memref<128x64xf32, #tpu.memory_space<vmem>>
      tpu.wait_dma2 semaphore(%run_scoped3A_190 : memref<!tpu.dma_semaphore, #tpu.memory_space<semaphore_mem>>) src(%dma_wait3A_214 : memref<128x64xf32, #tpu.memory_space<vmem>>) dst(%dma_wait3A_210 : memref<128x64xf32, #tpu.memory_space<vmem_shared>>)
      tpu.yield
    }) : () -> ()
    %add3A_10 = arith.constant 128 : i32
    %add3A_11 = arith.addi %mul3A_7, %add3A_10 : i32
    %run_scoped3A_12 = arith.constant 0 : i32
    "tpu.region"() ({
      %run_scoped3A_190 = tpu.sem_alloc : memref<!tpu.dma_semaphore, #tpu.memory_space<semaphore_mem>>
      %dma_start3A_191 = arith.constant 0 : i32
      %dma_start3A_192 = arith.constant 0 : i32
      %dma_start3A_193 = tpu.memref_slice %arg12[%run_scoped3A_12, %dma_start3A_191, %dma_start3A_192] : memref<3x128x64xf32, #tpu.memory_space<vmem>> -> memref<1x128x64xf32, #tpu.memory_space<vmem>>
      %dma_start3A_194 = tpu.memref_squeeze %dma_start3A_193 : memref<1x128x64xf32, #tpu.memory_space<vmem>> -> memref<128x64xf32, #tpu.memory_space<vmem>>
      %dma_start3A_195 = arith.constant 0 : i32
      %dma_start3A_196 = tpu.memref_slice %arg13[%add3A_11, %dma_start3A_195] : memref<25104x64xf32, #tpu.memory_space<vmem_shared>> -> memref<128x64xf32, #tpu.memory_space<vmem_shared>>
      %dma_start3A_197 = arith.constant 0 : i32
      %dma_start3A_198 = tpu.memref_slice %arg13[%add3A_11, %dma_start3A_197] : memref<25104x64xf32, #tpu.memory_space<vmem_shared>> -> memref<128x64xf32, #tpu.memory_space<vmem_shared>>
      %dma_start3A_199 = arith.constant 0 : i32
      %dma_start3A_200 = arith.constant 0 : i32
      %dma_start3A_201 = tpu.memref_slice %arg12[%run_scoped3A_12, %dma_start3A_199, %dma_start3A_200] : memref<3x128x64xf32, #tpu.memory_space<vmem>> -> memref<1x128x64xf32, #tpu.memory_space<vmem>>
      %dma_start3A_202 = tpu.memref_squeeze %dma_start3A_201 : memref<1x128x64xf32, #tpu.memory_space<vmem>> -> memref<128x64xf32, #tpu.memory_space<vmem>>
      tpu.enqueue_dma source(%dma_start3A_202 : memref<128x64xf32, #tpu.memory_space<vmem>>) target(%dma_start3A_198 : memref<128x64xf32, #tpu.memory_space<vmem_shared>>) target_semaphore(%run_scoped3A_190 : memref<!tpu.dma_semaphore, #tpu.memory_space<semaphore_mem>>)
      %dma_wait3A_203 = arith.constant 0 : i32
      %dma_wait3A_204 = arith.constant 0 : i32
      %dma_wait3A_205 = tpu.memref_slice %arg12[%run_scoped3A_12, %dma_wait3A_203, %dma_wait3A_204] : memref<3x128x64xf32, #tpu.memory_space<vmem>> -> memref<1x128x64xf32, #tpu.memory_space<vmem>>
      %dma_wait3A_206 = tpu.memref_squeeze %dma_wait3A_205 : memref<1x128x64xf32, #tpu.memory_space<vmem>> -> memref<128x64xf32, #tpu.memory_space<vmem>>
      %dma_wait3A_207 = arith.constant 0 : i32
      %dma_wait3A_208 = tpu.memref_slice %arg13[%add3A_11, %dma_wait3A_207] : memref<25104x64xf32, #tpu.memory_space<vmem_shared>> -> memref<128x64xf32, #tpu.memory_space<vmem_shared>>
      %dma_wait3A_209 = arith.constant 0 : i32
      %dma_wait3A_210 = tpu.memref_slice %arg13[%add3A_11, %dma_wait3A_209] : memref<25104x64xf32, #tpu.memory_space<vmem_shared>> -> memref<128x64xf32, #tpu.memory_space<vmem_shared>>
      %dma_wait3A_211 = arith.constant 0 : i32
      %dma_wait3A_212 = arith.constant 0 : i32
      %dma_wait3A_213 = tpu.memref_slice %arg12[%run_scoped3A_12, %dma_wait3A_211, %dma_wait3A_212] : memref<3x128x64xf32, #tpu.memory_space<vmem>> -> memref<1x128x64xf32, #tpu.memory_space<vmem>>
      %dma_wait3A_214 = tpu.memref_squeeze %dma_wait3A_213 : memref<1x128x64xf32, #tpu.memory_space<vmem>> -> memref<128x64xf32, #tpu.memory_space<vmem>>
      tpu.wait_dma2 semaphore(%run_scoped3A_190 : memref<!tpu.dma_semaphore, #tpu.memory_space<semaphore_mem>>) src(%dma_wait3A_214 : memref<128x64xf32, #tpu.memory_space<vmem>>) dst(%dma_wait3A_210 : memref<128x64xf32, #tpu.memory_space<vmem_shared>>)
      tpu.yield
    }) : () -> ()
    %add3A_13 = arith.constant 256 : i32
    %add3A_14 = arith.addi %mul3A_7, %add3A_13 : i32
    %run_scoped3A_15 = arith.constant 0 : i32
    "tpu.region"() ({
      %run_scoped3A_190 = tpu.sem_alloc : memref<!tpu.dma_semaphore, #tpu.memory_space<semaphore_mem>>
      %dma_start3A_191 = arith.constant 0 : i32
      %dma_start3A_192 = arith.constant 0 : i32
      %dma_start3A_193 = tpu.memref_slice %arg12[%run_scoped3A_15, %dma_start3A_191, %dma_start3A_192] : memref<3x128x64xf32, #tpu.memory_space<vmem>> -> memref<1x128x64xf32, #tpu.memory_space<vmem>>
      %dma_start3A_194 = tpu.memref_squeeze %dma_start3A_193 : memref<1x128x64xf32, #tpu.memory_space<vmem>> -> memref<128x64xf32, #tpu.memory_space<vmem>>
      %dma_start3A_195 = arith.constant 0 : i32
      %dma_start3A_196 = tpu.memref_slice %arg13[%add3A_14, %dma_start3A_195] : memref<25104x64xf32, #tpu.memory_space<vmem_shared>> -> memref<128x64xf32, #tpu.memory_space<vmem_shared>>
      %dma_start3A_197 = arith.constant 0 : i32
      %dma_start3A_198 = tpu.memref_slice %arg13[%add3A_14, %dma_start3A_197] : memref<25104x64xf32, #tpu.memory_space<vmem_shared>> -> memref<128x64xf32, #tpu.memory_space<vmem_shared>>
      %dma_start3A_199 = arith.constant 0 : i32
      %dma_start3A_200 = arith.constant 0 : i32
      %dma_start3A_201 = tpu.memref_slice %arg12[%run_scoped3A_15, %dma_start3A_199, %dma_start3A_200] : memref<3x128x64xf32, #tpu.memory_space<vmem>> -> memref<1x128x64xf32, #tpu.memory_space<vmem>>
      %dma_start3A_202 = tpu.memref_squeeze %dma_start3A_201 : memref<1x128x64xf32, #tpu.memory_space<vmem>> -> memref<128x64xf32, #tpu.memory_space<vmem>>
      tpu.enqueue_dma source(%dma_start3A_202 : memref<128x64xf32, #tpu.memory_space<vmem>>) target(%dma_start3A_198 : memref<128x64xf32, #tpu.memory_space<vmem_shared>>) target_semaphore(%run_scoped3A_190 : memref<!tpu.dma_semaphore, #tpu.memory_space<semaphore_mem>>)
      %dma_wait3A_203 = arith.constant 0 : i32
      %dma_wait3A_204 = arith.constant 0 : i32
      %dma_wait3A_205 = tpu.memref_slice %arg12[%run_scoped3A_15, %dma_wait3A_203, %dma_wait3A_204] : memref<3x128x64xf32, #tpu.memory_space<vmem>> -> memref<1x128x64xf32, #tpu.memory_space<vmem>>
      %dma_wait3A_206 = tpu.memref_squeeze %dma_wait3A_205 : memref<1x128x64xf32, #tpu.memory_space<vmem>> -> memref<128x64xf32, #tpu.memory_space<vmem>>
      %dma_wait3A_207 = arith.constant 0 : i32
      %dma_wait3A_208 = tpu.memref_slice %arg13[%add3A_14, %dma_wait3A_207] : memref<25104x64xf32, #tpu.memory_space<vmem_shared>> -> memref<128x64xf32, #tpu.memory_space<vmem_shared>>
      %dma_wait3A_209 = arith.constant 0 : i32
      %dma_wait3A_210 = tpu.memref_slice %arg13[%add3A_14, %dma_wait3A_209] : memref<25104x64xf32, #tpu.memory_space<vmem_shared>> -> memref<128x64xf32, #tpu.memory_space<vmem_shared>>
      %dma_wait3A_211 = arith.constant 0 : i32
      %dma_wait3A_212 = arith.constant 0 : i32
      %dma_wait3A_213 = tpu.memref_slice %arg12[%run_scoped3A_15, %dma_wait3A_211, %dma_wait3A_212] : memref<3x128x64xf32, #tpu.memory_space<vmem>> -> memref<1x128x64xf32, #tpu.memory_space<vmem>>
      %dma_wait3A_214 = tpu.memref_squeeze %dma_wait3A_213 : memref<1x128x64xf32, #tpu.memory_space<vmem>> -> memref<128x64xf32, #tpu.memory_space<vmem>>
      tpu.wait_dma2 semaphore(%run_scoped3A_190 : memref<!tpu.dma_semaphore, #tpu.memory_space<semaphore_mem>>) src(%dma_wait3A_214 : memref<128x64xf32, #tpu.memory_space<vmem>>) dst(%dma_wait3A_210 : memref<128x64xf32, #tpu.memory_space<vmem_shared>>)
      tpu.yield
    }) : () -> ()
    %add3A_16 = arith.constant 384 : i32
    %add3A_17 = arith.addi %mul3A_7, %add3A_16 : i32
    %run_scoped3A_18 = arith.constant 0 : i32
    "tpu.region"() ({
      %run_scoped3A_190 = tpu.sem_alloc : memref<!tpu.dma_semaphore, #tpu.memory_space<semaphore_mem>>
      %dma_start3A_191 = arith.constant 0 : i32
      %dma_start3A_192 = arith.constant 0 : i32
      %dma_start3A_193 = tpu.memref_slice %arg12[%run_scoped3A_18, %dma_start3A_191, %dma_start3A_192] : memref<3x128x64xf32, #tpu.memory_space<vmem>> -> memref<1x128x64xf32, #tpu.memory_space<vmem>>
      %dma_start3A_194 = tpu.memref_squeeze %dma_start3A_193 : memref<1x128x64xf32, #tpu.memory_space<vmem>> -> memref<128x64xf32, #tpu.memory_space<vmem>>
      %dma_start3A_195 = arith.constant 0 : i32
      %dma_start3A_196 = tpu.memref_slice %arg13[%add3A_17, %dma_start3A_195] : memref<25104x64xf32, #tpu.memory_space<vmem_shared>> -> memref<128x64xf32, #tpu.memory_space<vmem_shared>>
      %dma_start3A_197 = arith.constant 0 : i32
      %dma_start3A_198 = tpu.memref_slice %arg13[%add3A_17, %dma_start3A_197] : memref<25104x64xf32, #tpu.memory_space<vmem_shared>> -> memref<128x64xf32, #tpu.memory_space<vmem_shared>>
      %dma_start3A_199 = arith.constant 0 : i32
      %dma_start3A_200 = arith.constant 0 : i32
      %dma_start3A_201 = tpu.memref_slice %arg12[%run_scoped3A_18, %dma_start3A_199, %dma_start3A_200] : memref<3x128x64xf32, #tpu.memory_space<vmem>> -> memref<1x128x64xf32, #tpu.memory_space<vmem>>
      %dma_start3A_202 = tpu.memref_squeeze %dma_start3A_201 : memref<1x128x64xf32, #tpu.memory_space<vmem>> -> memref<128x64xf32, #tpu.memory_space<vmem>>
      tpu.enqueue_dma source(%dma_start3A_202 : memref<128x64xf32, #tpu.memory_space<vmem>>) target(%dma_start3A_198 : memref<128x64xf32, #tpu.memory_space<vmem_shared>>) target_semaphore(%run_scoped3A_190 : memref<!tpu.dma_semaphore, #tpu.memory_space<semaphore_mem>>)
      %dma_wait3A_203 = arith.constant 0 : i32
      %dma_wait3A_204 = arith.constant 0 : i32
      %dma_wait3A_205 = tpu.memref_slice %arg12[%run_scoped3A_18, %dma_wait3A_203, %dma_wait3A_204] : memref<3x128x64xf32, #tpu.memory_space<vmem>> -> memref<1x128x64xf32, #tpu.memory_space<vmem>>
      %dma_wait3A_206 = tpu.memref_squeeze %dma_wait3A_205 : memref<1x128x64xf32, #tpu.memory_space<vmem>> -> memref<128x64xf32, #tpu.memory_space<vmem>>
      %dma_wait3A_207 = arith.constant 0 : i32
      %dma_wait3A_208 = tpu.memref_slice %arg13[%add3A_17, %dma_wait3A_207] : memref<25104x64xf32, #tpu.memory_space<vmem_shared>> -> memref<128x64xf32, #tpu.memory_space<vmem_shared>>
      %dma_wait3A_209 = arith.constant 0 : i32
      %dma_wait3A_210 = tpu.memref_slice %arg13[%add3A_17, %dma_wait3A_209] : memref<25104x64xf32, #tpu.memory_space<vmem_shared>> -> memref<128x64xf32, #tpu.memory_space<vmem_shared>>
      %dma_wait3A_211 = arith.constant 0 : i32
      %dma_wait3A_212 = arith.constant 0 : i32
      %dma_wait3A_213 = tpu.memref_slice %arg12[%run_scoped3A_18, %dma_wait3A_211, %dma_wait3A_212] : memref<3x128x64xf32, #tpu.memory_space<vmem>> -> memref<1x128x64xf32, #tpu.memory_space<vmem>>
      %dma_wait3A_214 = tpu.memref_squeeze %dma_wait3A_213 : memref<1x128x64xf32, #tpu.memory_space<vmem>> -> memref<128x64xf32, #tpu.memory_space<vmem>>
      tpu.wait_dma2 semaphore(%run_scoped3A_190 : memref<!tpu.dma_semaphore, #tpu.memory_space<semaphore_mem>>) src(%dma_wait3A_214 : memref<128x64xf32, #tpu.memory_space<vmem>>) dst(%dma_wait3A_210 : memref<128x64xf32, #tpu.memory_space<vmem_shared>>)
      tpu.yield
    }) : () -> ()
    %add3A_19 = arith.constant 512 : i32
    %add3A_20 = arith.addi %mul3A_7, %add3A_19 : i32
    %run_scoped3A_21 = arith.constant 0 : i32
    "tpu.region"() ({
      %run_scoped3A_190 = tpu.sem_alloc : memref<!tpu.dma_semaphore, #tpu.memory_space<semaphore_mem>>
      %dma_start3A_191 = arith.constant 0 : i32
      %dma_start3A_192 = arith.constant 0 : i32
      %dma_start3A_193 = tpu.memref_slice %arg12[%run_scoped3A_21, %dma_start3A_191, %dma_start3A_192] : memref<3x128x64xf32, #tpu.memory_space<vmem>> -> memref<1x128x64xf32, #tpu.memory_space<vmem>>
      %dma_start3A_194 = tpu.memref_squeeze %dma_start3A_193 : memref<1x128x64xf32, #tpu.memory_space<vmem>> -> memref<128x64xf32, #tpu.memory_space<vmem>>
      %dma_start3A_195 = arith.constant 0 : i32
      %dma_start3A_196 = tpu.memref_slice %arg13[%add3A_20, %dma_start3A_195] : memref<25104x64xf32, #tpu.memory_space<vmem_shared>> -> memref<128x64xf32, #tpu.memory_space<vmem_shared>>
      %dma_start3A_197 = arith.constant 0 : i32
      %dma_start3A_198 = tpu.memref_slice %arg13[%add3A_20, %dma_start3A_197] : memref<25104x64xf32, #tpu.memory_space<vmem_shared>> -> memref<128x64xf32, #tpu.memory_space<vmem_shared>>
      %dma_start3A_199 = arith.constant 0 : i32
      %dma_start3A_200 = arith.constant 0 : i32
      %dma_start3A_201 = tpu.memref_slice %arg12[%run_scoped3A_21, %dma_start3A_199, %dma_start3A_200] : memref<3x128x64xf32, #tpu.memory_space<vmem>> -> memref<1x128x64xf32, #tpu.memory_space<vmem>>
      %dma_start3A_202 = tpu.memref_squeeze %dma_start3A_201 : memref<1x128x64xf32, #tpu.memory_space<vmem>> -> memref<128x64xf32, #tpu.memory_space<vmem>>
      tpu.enqueue_dma source(%dma_start3A_202 : memref<128x64xf32, #tpu.memory_space<vmem>>) target(%dma_start3A_198 : memref<128x64xf32, #tpu.memory_space<vmem_shared>>) target_semaphore(%run_scoped3A_190 : memref<!tpu.dma_semaphore, #tpu.memory_space<semaphore_mem>>)
      %dma_wait3A_203 = arith.constant 0 : i32
      %dma_wait3A_204 = arith.constant 0 : i32
      %dma_wait3A_205 = tpu.memref_slice %arg12[%run_scoped3A_21, %dma_wait3A_203, %dma_wait3A_204] : memref<3x128x64xf32, #tpu.memory_space<vmem>> -> memref<1x128x64xf32, #tpu.memory_space<vmem>>
      %dma_wait3A_206 = tpu.memref_squeeze %dma_wait3A_205 : memref<1x128x64xf32, #tpu.memory_space<vmem>> -> memref<128x64xf32, #tpu.memory_space<vmem>>
      %dma_wait3A_207 = arith.constant 0 : i32
      %dma_wait3A_208 = tpu.memref_slice %arg13[%add3A_20, %dma_wait3A_207] : memref<25104x64xf32, #tpu.memory_space<vmem_shared>> -> memref<128x64xf32, #tpu.memory_space<vmem_shared>>
      %dma_wait3A_209 = arith.constant 0 : i32
      %dma_wait3A_210 = tpu.memref_slice %arg13[%add3A_20, %dma_wait3A_209] : memref<25104x64xf32, #tpu.memory_space<vmem_shared>> -> memref<128x64xf32, #tpu.memory_space<vmem_shared>>
      %dma_wait3A_211 = arith.constant 0 : i32
      %dma_wait3A_212 = arith.constant 0 : i32
      %dma_wait3A_213 = tpu.memref_slice %arg12[%run_scoped3A_21, %dma_wait3A_211, %dma_wait3A_212] : memref<3x128x64xf32, #tpu.memory_space<vmem>> -> memref<1x128x64xf32, #tpu.memory_space<vmem>>
      %dma_wait3A_214 = tpu.memref_squeeze %dma_wait3A_213 : memref<1x128x64xf32, #tpu.memory_space<vmem>> -> memref<128x64xf32, #tpu.memory_space<vmem>>
      tpu.wait_dma2 semaphore(%run_scoped3A_190 : memref<!tpu.dma_semaphore, #tpu.memory_space<semaphore_mem>>) src(%dma_wait3A_214 : memref<128x64xf32, #tpu.memory_space<vmem>>) dst(%dma_wait3A_210 : memref<128x64xf32, #tpu.memory_space<vmem_shared>>)
      tpu.yield
    }) : () -> ()
    %add3A_22 = arith.constant 640 : i32
    %add3A_23 = arith.addi %mul3A_7, %add3A_22 : i32
    %run_scoped3A_24 = arith.constant 0 : i32
    "tpu.region"() ({
      %run_scoped3A_190 = tpu.sem_alloc : memref<!tpu.dma_semaphore, #tpu.memory_space<semaphore_mem>>
      %dma_start3A_191 = arith.constant 0 : i32
      %dma_start3A_192 = arith.constant 0 : i32
      %dma_start3A_193 = tpu.memref_slice %arg12[%run_scoped3A_24, %dma_start3A_191, %dma_start3A_192] : memref<3x128x64xf32, #tpu.memory_space<vmem>> -> memref<1x128x64xf32, #tpu.memory_space<vmem>>
      %dma_start3A_194 = tpu.memref_squeeze %dma_start3A_193 : memref<1x128x64xf32, #tpu.memory_space<vmem>> -> memref<128x64xf32, #tpu.memory_space<vmem>>
      %dma_start3A_195 = arith.constant 0 : i32
      %dma_start3A_196 = tpu.memref_slice %arg13[%add3A_23, %dma_start3A_195] : memref<25104x64xf32, #tpu.memory_space<vmem_shared>> -> memref<128x64xf32, #tpu.memory_space<vmem_shared>>
      %dma_start3A_197 = arith.constant 0 : i32
      %dma_start3A_198 = tpu.memref_slice %arg13[%add3A_23, %dma_start3A_197] : memref<25104x64xf32, #tpu.memory_space<vmem_shared>> -> memref<128x64xf32, #tpu.memory_space<vmem_shared>>
      %dma_start3A_199 = arith.constant 0 : i32
      %dma_start3A_200 = arith.constant 0 : i32
      %dma_start3A_201 = tpu.memref_slice %arg12[%run_scoped3A_24, %dma_start3A_199, %dma_start3A_200] : memref<3x128x64xf32, #tpu.memory_space<vmem>> -> memref<1x128x64xf32, #tpu.memory_space<vmem>>
      %dma_start3A_202 = tpu.memref_squeeze %dma_start3A_201 : memref<1x128x64xf32, #tpu.memory_space<vmem>> -> memref<128x64xf32, #tpu.memory_space<vmem>>
      tpu.enqueue_dma source(%dma_start3A_202 : memref<128x64xf32, #tpu.memory_space<vmem>>) target(%dma_start3A_198 : memref<128x64xf32, #tpu.memory_space<vmem_shared>>) target_semaphore(%run_scoped3A_190 : memref<!tpu.dma_semaphore, #tpu.memory_space<semaphore_mem>>)
      %dma_wait3A_203 = arith.constant 0 : i32
      %dma_wait3A_204 = arith.constant 0 : i32
      %dma_wait3A_205 = tpu.memref_slice %arg12[%run_scoped3A_24, %dma_wait3A_203, %dma_wait3A_204] : memref<3x128x64xf32, #tpu.memory_space<vmem>> -> memref<1x128x64xf32, #tpu.memory_space<vmem>>
      %dma_wait3A_206 = tpu.memref_squeeze %dma_wait3A_205 : memref<1x128x64xf32, #tpu.memory_space<vmem>> -> memref<128x64xf32, #tpu.memory_space<vmem>>
      %dma_wait3A_207 = arith.constant 0 : i32
      %dma_wait3A_208 = tpu.memref_slice %arg13[%add3A_23, %dma_wait3A_207] : memref<25104x64xf32, #tpu.memory_space<vmem_shared>> -> memref<128x64xf32, #tpu.memory_space<vmem_shared>>
      %dma_wait3A_209 = arith.constant 0 : i32
      %dma_wait3A_210 = tpu.memref_slice %arg13[%add3A_23, %dma_wait3A_209] : memref<25104x64xf32, #tpu.memory_space<vmem_shared>> -> memref<128x64xf32, #tpu.memory_space<vmem_shared>>
      %dma_wait3A_211 = arith.constant 0 : i32
      %dma_wait3A_212 = arith.constant 0 : i32
      %dma_wait3A_213 = tpu.memref_slice %arg12[%run_scoped3A_24, %dma_wait3A_211, %dma_wait3A_212] : memref<3x128x64xf32, #tpu.memory_space<vmem>> -> memref<1x128x64xf32, #tpu.memory_space<vmem>>
      %dma_wait3A_214 = tpu.memref_squeeze %dma_wait3A_213 : memref<1x128x64xf32, #tpu.memory_space<vmem>> -> memref<128x64xf32, #tpu.memory_space<vmem>>
      tpu.wait_dma2 semaphore(%run_scoped3A_190 : memref<!tpu.dma_semaphore, #tpu.memory_space<semaphore_mem>>) src(%dma_wait3A_214 : memref<128x64xf32, #tpu.memory_space<vmem>>) dst(%dma_wait3A_210 : memref<128x64xf32, #tpu.memory_space<vmem_shared>>)
      tpu.yield
    }) : () -> ()
    %add3A_25 = arith.constant 768 : i32
    %add3A_26 = arith.addi %mul3A_7, %add3A_25 : i32
    %run_scoped3A_27 = arith.constant 0 : i32
    "tpu.region"() ({
      %run_scoped3A_190 = tpu.sem_alloc : memref<!tpu.dma_semaphore, #tpu.memory_space<semaphore_mem>>
      %dma_start3A_191 = arith.constant 0 : i32
      %dma_start3A_192 = arith.constant 0 : i32
      %dma_start3A_193 = tpu.memref_slice %arg12[%run_scoped3A_27, %dma_start3A_191, %dma_start3A_192] : memref<3x128x64xf32, #tpu.memory_space<vmem>> -> memref<1x128x64xf32, #tpu.memory_space<vmem>>
      %dma_start3A_194 = tpu.memref_squeeze %dma_start3A_193 : memref<1x128x64xf32, #tpu.memory_space<vmem>> -> memref<128x64xf32, #tpu.memory_space<vmem>>
      %dma_start3A_195 = arith.constant 0 : i32
      %dma_start3A_196 = tpu.memref_slice %arg13[%add3A_26, %dma_start3A_195] : memref<25104x64xf32, #tpu.memory_space<vmem_shared>> -> memref<128x64xf32, #tpu.memory_space<vmem_shared>>
      %dma_start3A_197 = arith.constant 0 : i32
      %dma_start3A_198 = tpu.memref_slice %arg13[%add3A_26, %dma_start3A_197] : memref<25104x64xf32, #tpu.memory_space<vmem_shared>> -> memref<128x64xf32, #tpu.memory_space<vmem_shared>>
      %dma_start3A_199 = arith.constant 0 : i32
      %dma_start3A_200 = arith.constant 0 : i32
      %dma_start3A_201 = tpu.memref_slice %arg12[%run_scoped3A_27, %dma_start3A_199, %dma_start3A_200] : memref<3x128x64xf32, #tpu.memory_space<vmem>> -> memref<1x128x64xf32, #tpu.memory_space<vmem>>
      %dma_start3A_202 = tpu.memref_squeeze %dma_start3A_201 : memref<1x128x64xf32, #tpu.memory_space<vmem>> -> memref<128x64xf32, #tpu.memory_space<vmem>>
      tpu.enqueue_dma source(%dma_start3A_202 : memref<128x64xf32, #tpu.memory_space<vmem>>) target(%dma_start3A_198 : memref<128x64xf32, #tpu.memory_space<vmem_shared>>) target_semaphore(%run_scoped3A_190 : memref<!tpu.dma_semaphore, #tpu.memory_space<semaphore_mem>>)
      %dma_wait3A_203 = arith.constant 0 : i32
      %dma_wait3A_204 = arith.constant 0 : i32
      %dma_wait3A_205 = tpu.memref_slice %arg12[%run_scoped3A_27, %dma_wait3A_203, %dma_wait3A_204] : memref<3x128x64xf32, #tpu.memory_space<vmem>> -> memref<1x128x64xf32, #tpu.memory_space<vmem>>
      %dma_wait3A_206 = tpu.memref_squeeze %dma_wait3A_205 : memref<1x128x64xf32, #tpu.memory_space<vmem>> -> memref<128x64xf32, #tpu.memory_space<vmem>>
      %dma_wait3A_207 = arith.constant 0 : i32
      %dma_wait3A_208 = tpu.memref_slice %arg13[%add3A_26, %dma_wait3A_207] : memref<25104x64xf32, #tpu.memory_space<vmem_shared>> -> memref<128x64xf32, #tpu.memory_space<vmem_shared>>
      %dma_wait3A_209 = arith.constant 0 : i32
      %dma_wait3A_210 = tpu.memref_slice %arg13[%add3A_26, %dma_wait3A_209] : memref<25104x64xf32, #tpu.memory_space<vmem_shared>> -> memref<128x64xf32, #tpu.memory_space<vmem_shared>>
      %dma_wait3A_211 = arith.constant 0 : i32
      %dma_wait3A_212 = arith.constant 0 : i32
      %dma_wait3A_213 = tpu.memref_slice %arg12[%run_scoped3A_27, %dma_wait3A_211, %dma_wait3A_212] : memref<3x128x64xf32, #tpu.memory_space<vmem>> -> memref<1x128x64xf32, #tpu.memory_space<vmem>>
      %dma_wait3A_214 = tpu.memref_squeeze %dma_wait3A_213 : memref<1x128x64xf32, #tpu.memory_space<vmem>> -> memref<128x64xf32, #tpu.memory_space<vmem>>
      tpu.wait_dma2 semaphore(%run_scoped3A_190 : memref<!tpu.dma_semaphore, #tpu.memory_space<semaphore_mem>>) src(%dma_wait3A_214 : memref<128x64xf32, #tpu.memory_space<vmem>>) dst(%dma_wait3A_210 : memref<128x64xf32, #tpu.memory_space<vmem_shared>>)
      tpu.yield
    }) : () -> ()
    %add3A_28 = arith.constant 896 : i32
    %add3A_29 = arith.addi %mul3A_7, %add3A_28 : i32
    %run_scoped3A_30 = arith.constant 0 : i32
    "tpu.region"() ({
      %run_scoped3A_190 = tpu.sem_alloc : memref<!tpu.dma_semaphore, #tpu.memory_space<semaphore_mem>>
      %dma_start3A_191 = arith.constant 0 : i32
      %dma_start3A_192 = arith.constant 0 : i32
      %dma_start3A_193 = tpu.memref_slice %arg12[%run_scoped3A_30, %dma_start3A_191, %dma_start3A_192] : memref<3x128x64xf32, #tpu.memory_space<vmem>> -> memref<1x128x64xf32, #tpu.memory_space<vmem>>
      %dma_start3A_194 = tpu.memref_squeeze %dma_start3A_193 : memref<1x128x64xf32, #tpu.memory_space<vmem>> -> memref<128x64xf32, #tpu.memory_space<vmem>>
      %dma_start3A_195 = arith.constant 0 : i32
      %dma_start3A_196 = tpu.memref_slice %arg13[%add3A_29, %dma_start3A_195] : memref<25104x64xf32, #tpu.memory_space<vmem_shared>> -> memref<128x64xf32, #tpu.memory_space<vmem_shared>>
      %dma_start3A_197 = arith.constant 0 : i32
      %dma_start3A_198 = tpu.memref_slice %arg13[%add3A_29, %dma_start3A_197] : memref<25104x64xf32, #tpu.memory_space<vmem_shared>> -> memref<128x64xf32, #tpu.memory_space<vmem_shared>>
      %dma_start3A_199 = arith.constant 0 : i32
      %dma_start3A_200 = arith.constant 0 : i32
      %dma_start3A_201 = tpu.memref_slice %arg12[%run_scoped3A_30, %dma_start3A_199, %dma_start3A_200] : memref<3x128x64xf32, #tpu.memory_space<vmem>> -> memref<1x128x64xf32, #tpu.memory_space<vmem>>
      %dma_start3A_202 = tpu.memref_squeeze %dma_start3A_201 : memref<1x128x64xf32, #tpu.memory_space<vmem>> -> memref<128x64xf32, #tpu.memory_space<vmem>>
      tpu.enqueue_dma source(%dma_start3A_202 : memref<128x64xf32, #tpu.memory_space<vmem>>) target(%dma_start3A_198 : memref<128x64xf32, #tpu.memory_space<vmem_shared>>) target_semaphore(%run_scoped3A_190 : memref<!tpu.dma_semaphore, #tpu.memory_space<semaphore_mem>>)
      %dma_wait3A_203 = arith.constant 0 : i32
      %dma_wait3A_204 = arith.constant 0 : i32
      %dma_wait3A_205 = tpu.memref_slice %arg12[%run_scoped3A_30, %dma_wait3A_203, %dma_wait3A_204] : memref<3x128x64xf32, #tpu.memory_space<vmem>> -> memref<1x128x64xf32, #tpu.memory_space<vmem>>
      %dma_wait3A_206 = tpu.memref_squeeze %dma_wait3A_205 : memref<1x128x64xf32, #tpu.memory_space<vmem>> -> memref<128x64xf32, #tpu.memory_space<vmem>>
      %dma_wait3A_207 = arith.constant 0 : i32
      %dma_wait3A_208 = tpu.memref_slice %arg13[%add3A_29, %dma_wait3A_207] : memref<25104x64xf32, #tpu.memory_space<vmem_shared>> -> memref<128x64xf32, #tpu.memory_space<vmem_shared>>
      %dma_wait3A_209 = arith.constant 0 : i32
      %dma_wait3A_210 = tpu.memref_slice %arg13[%add3A_29, %dma_wait3A_209] : memref<25104x64xf32, #tpu.memory_space<vmem_shared>> -> memref<128x64xf32, #tpu.memory_space<vmem_shared>>
      %dma_wait3A_211 = arith.constant 0 : i32
      %dma_wait3A_212 = arith.constant 0 : i32
      %dma_wait3A_213 = tpu.memref_slice %arg12[%run_scoped3A_30, %dma_wait3A_211, %dma_wait3A_212] : memref<3x128x64xf32, #tpu.memory_space<vmem>> -> memref<1x128x64xf32, #tpu.memory_space<vmem>>
      %dma_wait3A_214 = tpu.memref_squeeze %dma_wait3A_213 : memref<1x128x64xf32, #tpu.memory_space<vmem>> -> memref<128x64xf32, #tpu.memory_space<vmem>>
      tpu.wait_dma2 semaphore(%run_scoped3A_190 : memref<!tpu.dma_semaphore, #tpu.memory_space<semaphore_mem>>) src(%dma_wait3A_214 : memref<128x64xf32, #tpu.memory_space<vmem>>) dst(%dma_wait3A_210 : memref<128x64xf32, #tpu.memory_space<vmem_shared>>)
      tpu.yield
    }) : () -> ()
    %add3A_31 = arith.constant 1024 : i32
    %add3A_32 = arith.addi %mul3A_7, %add3A_31 : i32
    %run_scoped3A_33 = arith.constant 0 : i32
    "tpu.region"() ({
      %run_scoped3A_190 = tpu.sem_alloc : memref<!tpu.dma_semaphore, #tpu.memory_space<semaphore_mem>>
      %dma_start3A_191 = arith.constant 0 : i32
      %dma_start3A_192 = arith.constant 0 : i32
      %dma_start3A_193 = tpu.memref_slice %arg12[%run_scoped3A_33, %dma_start3A_191, %dma_start3A_192] : memref<3x128x64xf32, #tpu.memory_space<vmem>> -> memref<1x128x64xf32, #tpu.memory_space<vmem>>
      %dma_start3A_194 = tpu.memref_squeeze %dma_start3A_193 : memref<1x128x64xf32, #tpu.memory_space<vmem>> -> memref<128x64xf32, #tpu.memory_space<vmem>>
      %dma_start3A_195 = arith.constant 0 : i32
      %dma_start3A_196 = tpu.memref_slice %arg13[%add3A_32, %dma_start3A_195] : memref<25104x64xf32, #tpu.memory_space<vmem_shared>> -> memref<128x64xf32, #tpu.memory_space<vmem_shared>>
      %dma_start3A_197 = arith.constant 0 : i32
      %dma_start3A_198 = tpu.memref_slice %arg13[%add3A_32, %dma_start3A_197] : memref<25104x64xf32, #tpu.memory_space<vmem_shared>> -> memref<128x64xf32, #tpu.memory_space<vmem_shared>>
      %dma_start3A_199 = arith.constant 0 : i32
      %dma_start3A_200 = arith.constant 0 : i32
      %dma_start3A_201 = tpu.memref_slice %arg12[%run_scoped3A_33, %dma_start3A_199, %dma_start3A_200] : memref<3x128x64xf32, #tpu.memory_space<vmem>> -> memref<1x128x64xf32, #tpu.memory_space<vmem>>
      %dma_start3A_202 = tpu.memref_squeeze %dma_start3A_201 : memref<1x128x64xf32, #tpu.memory_space<vmem>> -> memref<128x64xf32, #tpu.memory_space<vmem>>
      tpu.enqueue_dma source(%dma_start3A_202 : memref<128x64xf32, #tpu.memory_space<vmem>>) target(%dma_start3A_198 : memref<128x64xf32, #tpu.memory_space<vmem_shared>>) target_semaphore(%run_scoped3A_190 : memref<!tpu.dma_semaphore, #tpu.memory_space<semaphore_mem>>)
      %dma_wait3A_203 = arith.constant 0 : i32
      %dma_wait3A_204 = arith.constant 0 : i32
      %dma_wait3A_205 = tpu.memref_slice %arg12[%run_scoped3A_33, %dma_wait3A_203, %dma_wait3A_204] : memref<3x128x64xf32, #tpu.memory_space<vmem>> -> memref<1x128x64xf32, #tpu.memory_space<vmem>>
      %dma_wait3A_206 = tpu.memref_squeeze %dma_wait3A_205 : memref<1x128x64xf32, #tpu.memory_space<vmem>> -> memref<128x64xf32, #tpu.memory_space<vmem>>
      %dma_wait3A_207 = arith.constant 0 : i32
      %dma_wait3A_208 = tpu.memref_slice %arg13[%add3A_32, %dma_wait3A_207] : memref<25104x64xf32, #tpu.memory_space<vmem_shared>> -> memref<128x64xf32, #tpu.memory_space<vmem_shared>>
      %dma_wait3A_209 = arith.constant 0 : i32
      %dma_wait3A_210 = tpu.memref_slice %arg13[%add3A_32, %dma_wait3A_209] : memref<25104x64xf32, #tpu.memory_space<vmem_shared>> -> memref<128x64xf32, #tpu.memory_space<vmem_shared>>
      %dma_wait3A_211 = arith.constant 0 : i32
      %dma_wait3A_212 = arith.constant 0 : i32
      %dma_wait3A_213 = tpu.memref_slice %arg12[%run_scoped3A_33, %dma_wait3A_211, %dma_wait3A_212] : memref<3x128x64xf32, #tpu.memory_space<vmem>> -> memref<1x128x64xf32, #tpu.memory_space<vmem>>
      %dma_wait3A_214 = tpu.memref_squeeze %dma_wait3A_213 : memref<1x128x64xf32, #tpu.memory_space<vmem>> -> memref<128x64xf32, #tpu.memory_space<vmem>>
      tpu.wait_dma2 semaphore(%run_scoped3A_190 : memref<!tpu.dma_semaphore, #tpu.memory_space<semaphore_mem>>) src(%dma_wait3A_214 : memref<128x64xf32, #tpu.memory_space<vmem>>) dst(%dma_wait3A_210 : memref<128x64xf32, #tpu.memory_space<vmem_shared>>)
      tpu.yield
    }) : () -> ()
    %add3A_34 = arith.constant 1152 : i32
    %add3A_35 = arith.addi %mul3A_7, %add3A_34 : i32
    %run_scoped3A_36 = arith.constant 0 : i32
    "tpu.region"() ({
      %run_scoped3A_190 = tpu.sem_alloc : memref<!tpu.dma_semaphore, #tpu.memory_space<semaphore_mem>>
      %dma_start3A_191 = arith.constant 0 : i32
      %dma_start3A_192 = arith.constant 0 : i32
      %dma_start3A_193 = tpu.memref_slice %arg12[%run_scoped3A_36, %dma_start3A_191, %dma_start3A_192] : memref<3x128x64xf32, #tpu.memory_space<vmem>> -> memref<1x128x64xf32, #tpu.memory_space<vmem>>
      %dma_start3A_194 = tpu.memref_squeeze %dma_start3A_193 : memref<1x128x64xf32, #tpu.memory_space<vmem>> -> memref<128x64xf32, #tpu.memory_space<vmem>>
      %dma_start3A_195 = arith.constant 0 : i32
      %dma_start3A_196 = tpu.memref_slice %arg13[%add3A_35, %dma_start3A_195] : memref<25104x64xf32, #tpu.memory_space<vmem_shared>> -> memref<128x64xf32, #tpu.memory_space<vmem_shared>>
      %dma_start3A_197 = arith.constant 0 : i32
      %dma_start3A_198 = tpu.memref_slice %arg13[%add3A_35, %dma_start3A_197] : memref<25104x64xf32, #tpu.memory_space<vmem_shared>> -> memref<128x64xf32, #tpu.memory_space<vmem_shared>>
      %dma_start3A_199 = arith.constant 0 : i32
      %dma_start3A_200 = arith.constant 0 : i32
      %dma_start3A_201 = tpu.memref_slice %arg12[%run_scoped3A_36, %dma_start3A_199, %dma_start3A_200] : memref<3x128x64xf32, #tpu.memory_space<vmem>> -> memref<1x128x64xf32, #tpu.memory_space<vmem>>
      %dma_start3A_202 = tpu.memref_squeeze %dma_start3A_201 : memref<1x128x64xf32, #tpu.memory_space<vmem>> -> memref<128x64xf32, #tpu.memory_space<vmem>>
      tpu.enqueue_dma source(%dma_start3A_202 : memref<128x64xf32, #tpu.memory_space<vmem>>) target(%dma_start3A_198 : memref<128x64xf32, #tpu.memory_space<vmem_shared>>) target_semaphore(%run_scoped3A_190 : memref<!tpu.dma_semaphore, #tpu.memory_space<semaphore_mem>>)
      %dma_wait3A_203 = arith.constant 0 : i32
      %dma_wait3A_204 = arith.constant 0 : i32
      %dma_wait3A_205 = tpu.memref_slice %arg12[%run_scoped3A_36, %dma_wait3A_203, %dma_wait3A_204] : memref<3x128x64xf32, #tpu.memory_space<vmem>> -> memref<1x128x64xf32, #tpu.memory_space<vmem>>
      %dma_wait3A_206 = tpu.memref_squeeze %dma_wait3A_205 : memref<1x128x64xf32, #tpu.memory_space<vmem>> -> memref<128x64xf32, #tpu.memory_space<vmem>>
      %dma_wait3A_207 = arith.constant 0 : i32
      %dma_wait3A_208 = tpu.memref_slice %arg13[%add3A_35, %dma_wait3A_207] : memref<25104x64xf32, #tpu.memory_space<vmem_shared>> -> memref<128x64xf32, #tpu.memory_space<vmem_shared>>
      %dma_wait3A_209 = arith.constant 0 : i32
      %dma_wait3A_210 = tpu.memref_slice %arg13[%add3A_35, %dma_wait3A_209] : memref<25104x64xf32, #tpu.memory_space<vmem_shared>> -> memref<128x64xf32, #tpu.memory_space<vmem_shared>>
      %dma_wait3A_211 = arith.constant 0 : i32
      %dma_wait3A_212 = arith.constant 0 : i32
      %dma_wait3A_213 = tpu.memref_slice %arg12[%run_scoped3A_36, %dma_wait3A_211, %dma_wait3A_212] : memref<3x128x64xf32, #tpu.memory_space<vmem>> -> memref<1x128x64xf32, #tpu.memory_space<vmem>>
      %dma_wait3A_214 = tpu.memref_squeeze %dma_wait3A_213 : memref<1x128x64xf32, #tpu.memory_space<vmem>> -> memref<128x64xf32, #tpu.memory_space<vmem>>
      tpu.wait_dma2 semaphore(%run_scoped3A_190 : memref<!tpu.dma_semaphore, #tpu.memory_space<semaphore_mem>>) src(%dma_wait3A_214 : memref<128x64xf32, #tpu.memory_space<vmem>>) dst(%dma_wait3A_210 : memref<128x64xf32, #tpu.memory_space<vmem_shared>>)
      tpu.yield
    }) : () -> ()
    %add3A_37 = arith.constant 1280 : i32
    %add3A_38 = arith.addi %mul3A_7, %add3A_37 : i32
    %run_scoped3A_39 = arith.constant 0 : i32
    "tpu.region"() ({
      %run_scoped3A_190 = tpu.sem_alloc : memref<!tpu.dma_semaphore, #tpu.memory_space<semaphore_mem>>
      %dma_start3A_191 = arith.constant 0 : i32
      %dma_start3A_192 = arith.constant 0 : i32
      %dma_start3A_193 = tpu.memref_slice %arg12[%run_scoped3A_39, %dma_start3A_191, %dma_start3A_192] : memref<3x128x64xf32, #tpu.memory_space<vmem>> -> memref<1x128x64xf32, #tpu.memory_space<vmem>>
      %dma_start3A_194 = tpu.memref_squeeze %dma_start3A_193 : memref<1x128x64xf32, #tpu.memory_space<vmem>> -> memref<128x64xf32, #tpu.memory_space<vmem>>
      %dma_start3A_195 = arith.constant 0 : i32
      %dma_start3A_196 = tpu.memref_slice %arg13[%add3A_38, %dma_start3A_195] : memref<25104x64xf32, #tpu.memory_space<vmem_shared>> -> memref<128x64xf32, #tpu.memory_space<vmem_shared>>
      %dma_start3A_197 = arith.constant 0 : i32
      %dma_start3A_198 = tpu.memref_slice %arg13[%add3A_38, %dma_start3A_197] : memref<25104x64xf32, #tpu.memory_space<vmem_shared>> -> memref<128x64xf32, #tpu.memory_space<vmem_shared>>
      %dma_start3A_199 = arith.constant 0 : i32
      %dma_start3A_200 = arith.constant 0 : i32
      %dma_start3A_201 = tpu.memref_slice %arg12[%run_scoped3A_39, %dma_start3A_199, %dma_start3A_200] : memref<3x128x64xf32, #tpu.memory_space<vmem>> -> memref<1x128x64xf32, #tpu.memory_space<vmem>>
      %dma_start3A_202 = tpu.memref_squeeze %dma_start3A_201 : memref<1x128x64xf32, #tpu.memory_space<vmem>> -> memref<128x64xf32, #tpu.memory_space<vmem>>
      tpu.enqueue_dma source(%dma_start3A_202 : memref<128x64xf32, #tpu.memory_space<vmem>>) target(%dma_start3A_198 : memref<128x64xf32, #tpu.memory_space<vmem_shared>>) target_semaphore(%run_scoped3A_190 : memref<!tpu.dma_semaphore, #tpu.memory_space<semaphore_mem>>)
      %dma_wait3A_203 = arith.constant 0 : i32
      %dma_wait3A_204 = arith.constant 0 : i32
      %dma_wait3A_205 = tpu.memref_slice %arg12[%run_scoped3A_39, %dma_wait3A_203, %dma_wait3A_204] : memref<3x128x64xf32, #tpu.memory_space<vmem>> -> memref<1x128x64xf32, #tpu.memory_space<vmem>>
      %dma_wait3A_206 = tpu.memref_squeeze %dma_wait3A_205 : memref<1x128x64xf32, #tpu.memory_space<vmem>> -> memref<128x64xf32, #tpu.memory_space<vmem>>
      %dma_wait3A_207 = arith.constant 0 : i32
      %dma_wait3A_208 = tpu.memref_slice %arg13[%add3A_38, %dma_wait3A_207] : memref<25104x64xf32, #tpu.memory_space<vmem_shared>> -> memref<128x64xf32, #tpu.memory_space<vmem_shared>>
      %dma_wait3A_209 = arith.constant 0 : i32
      %dma_wait3A_210 = tpu.memref_slice %arg13[%add3A_38, %dma_wait3A_209] : memref<25104x64xf32, #tpu.memory_space<vmem_shared>> -> memref<128x64xf32, #tpu.memory_space<vmem_shared>>
      %dma_wait3A_211 = arith.constant 0 : i32
      %dma_wait3A_212 = arith.constant 0 : i32
      %dma_wait3A_213 = tpu.memref_slice %arg12[%run_scoped3A_39, %dma_wait3A_211, %dma_wait3A_212] : memref<3x128x64xf32, #tpu.memory_space<vmem>> -> memref<1x128x64xf32, #tpu.memory_space<vmem>>
      %dma_wait3A_214 = tpu.memref_squeeze %dma_wait3A_213 : memref<1x128x64xf32, #tpu.memory_space<vmem>> -> memref<128x64xf32, #tpu.memory_space<vmem>>
      tpu.wait_dma2 semaphore(%run_scoped3A_190 : memref<!tpu.dma_semaphore, #tpu.memory_space<semaphore_mem>>) src(%dma_wait3A_214 : memref<128x64xf32, #tpu.memory_space<vmem>>) dst(%dma_wait3A_210 : memref<128x64xf32, #tpu.memory_space<vmem_shared>>)
      tpu.yield
    }) : () -> ()
    %add3A_40 = arith.constant 1408 : i32
    %add3A_41 = arith.addi %mul3A_7, %add3A_40 : i32
    %run_scoped3A_42 = arith.constant 0 : i32
    "tpu.region"() ({
      %run_scoped3A_190 = tpu.sem_alloc : memref<!tpu.dma_semaphore, #tpu.memory_space<semaphore_mem>>
      %dma_start3A_191 = arith.constant 0 : i32
      %dma_start3A_192 = arith.constant 0 : i32
      %dma_start3A_193 = tpu.memref_slice %arg12[%run_scoped3A_42, %dma_start3A_191, %dma_start3A_192] : memref<3x128x64xf32, #tpu.memory_space<vmem>> -> memref<1x128x64xf32, #tpu.memory_space<vmem>>
      %dma_start3A_194 = tpu.memref_squeeze %dma_start3A_193 : memref<1x128x64xf32, #tpu.memory_space<vmem>> -> memref<128x64xf32, #tpu.memory_space<vmem>>
      %dma_start3A_195 = arith.constant 0 : i32
      %dma_start3A_196 = tpu.memref_slice %arg13[%add3A_41, %dma_start3A_195] : memref<25104x64xf32, #tpu.memory_space<vmem_shared>> -> memref<128x64xf32, #tpu.memory_space<vmem_shared>>
      %dma_start3A_197 = arith.constant 0 : i32
      %dma_start3A_198 = tpu.memref_slice %arg13[%add3A_41, %dma_start3A_197] : memref<25104x64xf32, #tpu.memory_space<vmem_shared>> -> memref<128x64xf32, #tpu.memory_space<vmem_shared>>
      %dma_start3A_199 = arith.constant 0 : i32
      %dma_start3A_200 = arith.constant 0 : i32
      %dma_start3A_201 = tpu.memref_slice %arg12[%run_scoped3A_42, %dma_start3A_199, %dma_start3A_200] : memref<3x128x64xf32, #tpu.memory_space<vmem>> -> memref<1x128x64xf32, #tpu.memory_space<vmem>>
      %dma_start3A_202 = tpu.memref_squeeze %dma_start3A_201 : memref<1x128x64xf32, #tpu.memory_space<vmem>> -> memref<128x64xf32, #tpu.memory_space<vmem>>
      tpu.enqueue_dma source(%dma_start3A_202 : memref<128x64xf32, #tpu.memory_space<vmem>>) target(%dma_start3A_198 : memref<128x64xf32, #tpu.memory_space<vmem_shared>>) target_semaphore(%run_scoped3A_190 : memref<!tpu.dma_semaphore, #tpu.memory_space<semaphore_mem>>)
      %dma_wait3A_203 = arith.constant 0 : i32
      %dma_wait3A_204 = arith.constant 0 : i32
      %dma_wait3A_205 = tpu.memref_slice %arg12[%run_scoped3A_42, %dma_wait3A_203, %dma_wait3A_204] : memref<3x128x64xf32, #tpu.memory_space<vmem>> -> memref<1x128x64xf32, #tpu.memory_space<vmem>>
      %dma_wait3A_206 = tpu.memref_squeeze %dma_wait3A_205 : memref<1x128x64xf32, #tpu.memory_space<vmem>> -> memref<128x64xf32, #tpu.memory_space<vmem>>
      %dma_wait3A_207 = arith.constant 0 : i32
      %dma_wait3A_208 = tpu.memref_slice %arg13[%add3A_41, %dma_wait3A_207] : memref<25104x64xf32, #tpu.memory_space<vmem_shared>> -> memref<128x64xf32, #tpu.memory_space<vmem_shared>>
      %dma_wait3A_209 = arith.constant 0 : i32
      %dma_wait3A_210 = tpu.memref_slice %arg13[%add3A_41, %dma_wait3A_209] : memref<25104x64xf32, #tpu.memory_space<vmem_shared>> -> memref<128x64xf32, #tpu.memory_space<vmem_shared>>
      %dma_wait3A_211 = arith.constant 0 : i32
      %dma_wait3A_212 = arith.constant 0 : i32
      %dma_wait3A_213 = tpu.memref_slice %arg12[%run_scoped3A_42, %dma_wait3A_211, %dma_wait3A_212] : memref<3x128x64xf32, #tpu.memory_space<vmem>> -> memref<1x128x64xf32, #tpu.memory_space<vmem>>
      %dma_wait3A_214 = tpu.memref_squeeze %dma_wait3A_213 : memref<1x128x64xf32, #tpu.memory_space<vmem>> -> memref<128x64xf32, #tpu.memory_space<vmem>>
      tpu.wait_dma2 semaphore(%run_scoped3A_190 : memref<!tpu.dma_semaphore, #tpu.memory_space<semaphore_mem>>) src(%dma_wait3A_214 : memref<128x64xf32, #tpu.memory_space<vmem>>) dst(%dma_wait3A_210 : memref<128x64xf32, #tpu.memory_space<vmem_shared>>)
      tpu.yield
    }) : () -> ()
    %add3A_43 = arith.constant 1536 : i32
    %add3A_44 = arith.addi %mul3A_7, %add3A_43 : i32
    %run_scoped3A_45 = arith.constant 0 : i32
    "tpu.region"() ({
      %run_scoped3A_190 = tpu.sem_alloc : memref<!tpu.dma_semaphore, #tpu.memory_space<semaphore_mem>>
      %dma_start3A_191 = arith.constant 0 : i32
      %dma_start3A_192 = arith.constant 0 : i32
      %dma_start3A_193 = tpu.memref_slice %arg12[%run_scoped3A_45, %dma_start3A_191, %dma_start3A_192] : memref<3x128x64xf32, #tpu.memory_space<vmem>> -> memref<1x128x64xf32, #tpu.memory_space<vmem>>
      %dma_start3A_194 = tpu.memref_squeeze %dma_start3A_193 : memref<1x128x64xf32, #tpu.memory_space<vmem>> -> memref<128x64xf32, #tpu.memory_space<vmem>>
      %dma_start3A_195 = arith.constant 0 : i32
      %dma_start3A_196 = arith.constant 0 : i32
      %dma_start3A_197 = tpu.memref_slice %dma_start3A_194[%dma_start3A_195, %dma_start3A_196] : memref<128x64xf32, #tpu.memory_space<vmem>> -> memref<32x64xf32, #tpu.memory_space<vmem>>
      %dma_start3A_198 = arith.constant 0 : i32
      %dma_start3A_199 = tpu.memref_slice %arg13[%add3A_44, %dma_start3A_198] : memref<25104x64xf32, #tpu.memory_space<vmem_shared>> -> memref<32x64xf32, #tpu.memory_space<vmem_shared>>
      %dma_start3A_200 = arith.constant 0 : i32
      %dma_start3A_201 = tpu.memref_slice %arg13[%add3A_44, %dma_start3A_200] : memref<25104x64xf32, #tpu.memory_space<vmem_shared>> -> memref<32x64xf32, #tpu.memory_space<vmem_shared>>
      %dma_start3A_202 = arith.constant 0 : i32
      %dma_start3A_203 = arith.constant 0 : i32
      %dma_start3A_204 = tpu.memref_slice %arg12[%run_scoped3A_45, %dma_start3A_202, %dma_start3A_203] : memref<3x128x64xf32, #tpu.memory_space<vmem>> -> memref<1x128x64xf32, #tpu.memory_space<vmem>>
      %dma_start3A_205 = tpu.memref_squeeze %dma_start3A_204 : memref<1x128x64xf32, #tpu.memory_space<vmem>> -> memref<128x64xf32, #tpu.memory_space<vmem>>
      %dma_start3A_206 = arith.constant 0 : i32
      %dma_start3A_207 = arith.constant 0 : i32
      %dma_start3A_208 = tpu.memref_slice %dma_start3A_205[%dma_start3A_206, %dma_start3A_207] : memref<128x64xf32, #tpu.memory_space<vmem>> -> memref<32x64xf32, #tpu.memory_space<vmem>>
      tpu.enqueue_dma source(%dma_start3A_208 : memref<32x64xf32, #tpu.memory_space<vmem>>) target(%dma_start3A_201 : memref<32x64xf32, #tpu.memory_space<vmem_shared>>) target_semaphore(%run_scoped3A_190 : memref<!tpu.dma_semaphore, #tpu.memory_space<semaphore_mem>>)
      %dma_wait3A_209 = arith.constant 0 : i32
      %dma_wait3A_210 = arith.constant 0 : i32
      %dma_wait3A_211 = tpu.memref_slice %arg12[%run_scoped3A_45, %dma_wait3A_209, %dma_wait3A_210] : memref<3x128x64xf32, #tpu.memory_space<vmem>> -> memref<1x128x64xf32, #tpu.memory_space<vmem>>
      %dma_wait3A_212 = tpu.memref_squeeze %dma_wait3A_211 : memref<1x128x64xf32, #tpu.memory_space<vmem>> -> memref<128x64xf32, #tpu.memory_space<vmem>>
      %dma_wait3A_213 = arith.constant 0 : i32
      %dma_wait3A_214 = arith.constant 0 : i32
      %dma_wait3A_215 = tpu.memref_slice %dma_wait3A_212[%dma_wait3A_213, %dma_wait3A_214] : memref<128x64xf32, #tpu.memory_space<vmem>> -> memref<32x64xf32, #tpu.memory_space<vmem>>
      %dma_wait3A_216 = arith.constant 0 : i32
      %dma_wait3A_217 = tpu.memref_slice %arg13[%add3A_44, %dma_wait3A_216] : memref<25104x64xf32, #tpu.memory_space<vmem_shared>> -> memref<32x64xf32, #tpu.memory_space<vmem_shared>>
      %dma_wait3A_218 = arith.constant 0 : i32
      %dma_wait3A_219 = tpu.memref_slice %arg13[%add3A_44, %dma_wait3A_218] : memref<25104x64xf32, #tpu.memory_space<vmem_shared>> -> memref<32x64xf32, #tpu.memory_space<vmem_shared>>
      %dma_wait3A_220 = arith.constant 0 : i32
      %dma_wait3A_221 = arith.constant 0 : i32
      %dma_wait3A_222 = tpu.memref_slice %arg12[%run_scoped3A_45, %dma_wait3A_220, %dma_wait3A_221] : memref<3x128x64xf32, #tpu.memory_space<vmem>> -> memref<1x128x64xf32, #tpu.memory_space<vmem>>
      %dma_wait3A_223 = tpu.memref_squeeze %dma_wait3A_222 : memref<1x128x64xf32, #tpu.memory_space<vmem>> -> memref<128x64xf32, #tpu.memory_space<vmem>>
      %dma_wait3A_224 = arith.constant 0 : i32
      %dma_wait3A_225 = arith.constant 0 : i32
      %dma_wait3A_226 = tpu.memref_slice %dma_wait3A_223[%dma_wait3A_224, %dma_wait3A_225] : memref<128x64xf32, #tpu.memory_space<vmem>> -> memref<32x64xf32, #tpu.memory_space<vmem>>
      tpu.wait_dma2 semaphore(%run_scoped3A_190 : memref<!tpu.dma_semaphore, #tpu.memory_space<semaphore_mem>>) src(%dma_wait3A_226 : memref<32x64xf32, #tpu.memory_space<vmem>>) dst(%dma_wait3A_219 : memref<32x64xf32, #tpu.memory_space<vmem_shared>>)
      tpu.yield
    }) : () -> ()
    %barrier3A = arith.constant 0 : index
    tpu.barrier barrier_id(%barrier3A)
    "tpu.region"() ({
      %run_scoped3A_190 = tpu.sem_alloc : memref<!tpu.dma_semaphore, #tpu.memory_space<semaphore_mem>>
      tpu.enqueue_dma source(%arg5 : memref<80xi32, #tpu.memory_space<hbm>>) target(%arg7 : memref<80xi32, #tpu.memory_space<vmem>>) target_semaphore(%run_scoped3A_190 : memref<!tpu.dma_semaphore, #tpu.memory_space<semaphore_mem>>)
      tpu.wait_dma2 semaphore(%run_scoped3A_190 : memref<!tpu.dma_semaphore, #tpu.memory_space<semaphore_mem>>) src(%arg5 : memref<80xi32, #tpu.memory_space<hbm>>) dst(%arg7 : memref<80xi32, #tpu.memory_space<vmem>>)
      tpu.yield
    }) : () -> ()
    %get3A = arith.index_cast %add3A : i32 to index
    %get3A_46 = tpu.vector_load %arg7[%get3A] {strides = array<i32>} : memref<80xi32, #tpu.memory_space<vmem>>, vector<16xi32>,
    %get3A_47 = vector.shape_cast %get3A_46 : vector<16xi32> to vector<16xi32>
    %slice3A = vector.extract_strided_slice %get3A_47 {offsets = [0], sizes = [1], strides = [1]} : vector<16xi32> to vector<1xi32>
    %squeeze3A = vector.extract %slice3A[0] : i32 from vector<1xi32>
    %add3A_48 = arith.constant 32 : i32
    %add3A_49 = arith.addi %add3A_48, %add3A : i32
    %get3A_50 = arith.index_cast %add3A_49 : i32 to index
    %get3A_51 = tpu.vector_load %arg7[%get3A_50] {strides = array<i32>} : memref<80xi32, #tpu.memory_space<vmem>>, vector<16xi32>,
    %get3A_52 = vector.shape_cast %get3A_51 : vector<16xi32> to vector<16xi32>
    %slice3A_53 = vector.extract_strided_slice %get3A_52 {offsets = [0], sizes = [1], strides = [1]} : vector<16xi32> to vector<1xi32>
    %squeeze3A_54 = vector.extract %slice3A_53[0] : i32 from vector<1xi32>
    %jit3A = arith.constant 8 : i32
    %div3A = arith.divsi %squeeze3A, %jit3A : i32
    %sign3A = arith.constant 0 : i32
    %sign3A_55 = arith.cmpi sgt, %squeeze3A, %sign3A : i32
    %sign3A_56 = arith.extui %sign3A_55 : i1 to i32
    %sign3A_57 = arith.constant 0 : i32
    %sign3A_58 = arith.cmpi slt, %squeeze3A, %sign3A_57 : i32
    %sign3A_59 = arith.extui %sign3A_58 : i1 to i32
    %sign3A_60 = arith.subi %sign3A_56, %sign3A_59 : i32
    %sign3A_61 = arith.constant 0 : i32
    %sign3A_62 = arith.cmpi sgt, %jit3A, %sign3A_61 : i32
    %sign3A_63 = arith.extui %sign3A_62 : i1 to i32
    %sign3A_64 = arith.constant 0 : i32
    %sign3A_65 = arith.cmpi slt, %jit3A, %sign3A_64 : i32
    %sign3A_66 = arith.extui %sign3A_65 : i1 to i32
    %sign3A_67 = arith.subi %sign3A_63, %sign3A_66 : i32
    %ne3A = arith.cmpi ne, %sign3A_60, %sign3A_67 : i32
    %rem3A = arith.remsi %squeeze3A, %jit3A : i32
    %ne3A_68 = arith.constant 0 : i32
    %ne3A_69 = arith.cmpi ne, %rem3A, %ne3A_68 : i32
    %and3A = arith.andi %ne3A, %ne3A_69 : i1
    %sub3A = arith.constant 1 : i32
    %sub3A_70 = arith.subi %div3A, %sub3A : i32
    %select_n3A = arith.select %and3A, %sub3A_70, %div3A : i32
    %mul3A_71 = arith.constant 8 : i32
    %mul3A_72 = arith.muli %select_n3A, %mul3A_71 : i32
    %sub3A_73 = arith.subi %squeeze3A_54, %mul3A_72 : i32
    %add3A_74 = arith.constant 127 : i32
    %add3A_75 = arith.addi %sub3A_73, %add3A_74 : i32
    %jit3A_76 = arith.constant 128 : i32
    %div3A_77 = arith.divsi %add3A_75, %jit3A_76 : i32
    %sign3A_78 = arith.constant 0 : i32
    %sign3A_79 = arith.cmpi sgt, %add3A_75, %sign3A_78 : i32
    %sign3A_80 = arith.extui %sign3A_79 : i1 to i32
    %sign3A_81 = arith.constant 0 : i32
    %sign3A_82 = arith.cmpi slt, %add3A_75, %sign3A_81 : i32
    %sign3A_83 = arith.extui %sign3A_82 : i1 to i32
    %sign3A_84 = arith.subi %sign3A_80, %sign3A_83 : i32
    %sign3A_85 = arith.constant 0 : i32
    %sign3A_86 = arith.cmpi sgt, %jit3A_76, %sign3A_85 : i32
    %sign3A_87 = arith.extui %sign3A_86 : i1 to i32
    %sign3A_88 = arith.constant 0 : i32
    %sign3A_89 = arith.cmpi slt, %jit3A_76, %sign3A_88 : i32
    %sign3A_90 = arith.extui %sign3A_89 : i1 to i32
    %sign3A_91 = arith.subi %sign3A_87, %sign3A_90 : i32
    %ne3A_92 = arith.cmpi ne, %sign3A_84, %sign3A_91 : i32
    %rem3A_93 = arith.remsi %add3A_75, %jit3A_76 : i32
    %ne3A_94 = arith.constant 0 : i32
    %ne3A_95 = arith.cmpi ne, %rem3A_93, %ne3A_94 : i32
    %and3A_96 = arith.andi %ne3A_92, %ne3A_95 : i1
    %sub3A_97 = arith.constant 1 : i32
    %sub3A_98 = arith.subi %div3A_77, %sub3A_97 : i32
    %select_n3A_99 = arith.select %and3A_96, %sub3A_98, %div3A_77 : i32
    %jit3A_100 = arith.constant 0 : i32
    %jit3A_101 = arith.constant 8 : i32
    %div3A_102 = arith.divsi %jit3A_100, %jit3A_101 : i32
    %sign3A_103 = arith.constant 0 : i32
    %sign3A_104 = arith.cmpi sgt, %jit3A_100, %sign3A_103 : i32
    %sign3A_105 = arith.extui %sign3A_104 : i1 to i32
    %sign3A_106 = arith.constant 0 : i32
    %sign3A_107 = arith.cmpi slt, %jit3A_100, %sign3A_106 : i32
    %sign3A_108 = arith.extui %sign3A_107 : i1 to i32
    %sign3A_109 = arith.subi %sign3A_105, %sign3A_108 : i32
    %sign3A_110 = arith.constant 0 : i32
    %sign3A_111 = arith.cmpi sgt, %jit3A_101, %sign3A_110 : i32
    %sign3A_112 = arith.extui %sign3A_111 : i1 to i32
    %sign3A_113 = arith.constant 0 : i32
    %sign3A_114 = arith.cmpi slt, %jit3A_101, %sign3A_113 : i32
    %sign3A_115 = arith.extui %sign3A_114 : i1 to i32
    %sign3A_116 = arith.subi %sign3A_112, %sign3A_115 : i32
    %ne3A_117 = arith.cmpi ne, %sign3A_109, %sign3A_116 : i32
    %rem3A_118 = arith.remsi %jit3A_100, %jit3A_101 : i32
    %ne3A_119 = arith.constant 0 : i32
    %ne3A_120 = arith.cmpi ne, %rem3A_118, %ne3A_119 : i32
    %and3A_121 = arith.andi %ne3A_117, %ne3A_120 : i1
    %sub3A_122 = arith.constant 1 : i32
    %sub3A_123 = arith.subi %div3A_102, %sub3A_122 : i32
    %select_n3A_124 = arith.select %and3A_121, %sub3A_123, %div3A_102 : i32
    %mul3A_125 = arith.constant 1024 : i32
    %mul3A_126 = arith.muli %select_n3A_124, %mul3A_125 : i32
    %add3A_127 = arith.addi %mul3A_72, %mul3A_126 : i32
    "tpu.region"() ({
      %run_scoped3A_190 = tpu.sem_alloc : memref<!tpu.dma_semaphore, #tpu.memory_space<semaphore_mem>>
      %dma_start3A_191 = tpu.memref_slice %arg3[%add3A_127] : memref<802048xi32, #tpu.memory_space<hbm>> -> memref<1024xi32, #tpu.memory_space<hbm>>
      %dma_start3A_192 = tpu.memref_slice %arg3[%add3A_127] : memref<802048xi32, #tpu.memory_space<hbm>> -> memref<1024xi32, #tpu.memory_space<hbm>>
      tpu.enqueue_dma source(%dma_start3A_192 : memref<1024xi32, #tpu.memory_space<hbm>>) target(%arg8 : memref<1024xi32, #tpu.memory_space<vmem>>) target_semaphore(%run_scoped3A_190 : memref<!tpu.dma_semaphore, #tpu.memory_space<semaphore_mem>>)
      %dma_wait3A_193 = tpu.memref_slice %arg3[%add3A_127] : memref<802048xi32, #tpu.memory_space<hbm>> -> memref<1024xi32, #tpu.memory_space<hbm>>
      %dma_wait3A_194 = tpu.memref_slice %arg3[%add3A_127] : memref<802048xi32, #tpu.memory_space<hbm>> -> memref<1024xi32, #tpu.memory_space<hbm>>
      tpu.wait_dma2 semaphore(%run_scoped3A_190 : memref<!tpu.dma_semaphore, #tpu.memory_space<semaphore_mem>>) src(%dma_wait3A_194 : memref<1024xi32, #tpu.memory_space<hbm>>) dst(%arg8 : memref<1024xi32, #tpu.memory_space<vmem>>)
      tpu.yield
    }) : () -> ()
    "tpu.region"() ({
      %run_scoped3A_190 = tpu.sem_alloc : memref<!tpu.dma_semaphore, #tpu.memory_space<semaphore_mem>>
      %dma_start3A_191 = tpu.memref_slice %arg4[%add3A_127] : memref<802048xi32, #tpu.memory_space<hbm>> -> memref<1024xi32, #tpu.memory_space<hbm>>
      %dma_start3A_192 = tpu.memref_slice %arg4[%add3A_127] : memref<802048xi32, #tpu.memory_space<hbm>> -> memref<1024xi32, #tpu.memory_space<hbm>>
      tpu.enqueue_dma source(%dma_start3A_192 : memref<1024xi32, #tpu.memory_space<hbm>>) target(%arg9 : memref<1024xi32, #tpu.memory_space<vmem>>) target_semaphore(%run_scoped3A_190 : memref<!tpu.dma_semaphore, #tpu.memory_space<semaphore_mem>>)
      %dma_wait3A_193 = tpu.memref_slice %arg4[%add3A_127] : memref<802048xi32, #tpu.memory_space<hbm>> -> memref<1024xi32, #tpu.memory_space<hbm>>
      %dma_wait3A_194 = tpu.memref_slice %arg4[%add3A_127] : memref<802048xi32, #tpu.memory_space<hbm>> -> memref<1024xi32, #tpu.memory_space<hbm>>
      tpu.wait_dma2 semaphore(%run_scoped3A_190 : memref<!tpu.dma_semaphore, #tpu.memory_space<semaphore_mem>>) src(%dma_wait3A_194 : memref<1024xi32, #tpu.memory_space<hbm>>) dst(%arg9 : memref<1024xi32, #tpu.memory_space<vmem>>)
      tpu.yield
    }) : () -> ()
    %rem3A_128 = arith.constant 0 : i32
    %rem3A_129 = arith.constant 8 : i32
    %rem3A_130 = arith.remsi %rem3A_128, %rem3A_129 : i32
    %mul3A_131 = arith.constant 128 : i32
    %mul3A_132 = arith.muli %rem3A_130, %mul3A_131 : i32
    %mul3A_133 = arith.constant 0 : i32
    %mul3A_134 = arith.constant 128 : i32
    %mul3A_135 = arith.muli %mul3A_133, %mul3A_134 : i32
    %add3A_136 = arith.addi %mul3A_72, %mul3A_135 : i32
    %scan3A_137 = arith.constant 0 : i32
    %scan3A_138 = arith.constant 0 : i32
    %scan3A_139 = arith.constant 8 : i32
    %scan3A_140 = arith.addi %scan3A_138, %scan3A_139 : i32
    %scan3A_141 = arith.constant 1 : i32
    scf.for %scan3A_190 = %scan3A_138 to %scan3A_140 step %scan3A_141  : i32 {
      %mul3A_191 = arith.constant 16 : i32
      %mul3A_192 = arith.muli %scan3A_190, %mul3A_191 : i32
      %add3A_193 = arith.addi %mul3A_132, %mul3A_192 : i32
      %get3A_194 = arith.index_cast %add3A_193 : i32 to index
      %get3A_195 = tpu.vector_load %arg8[%get3A_194] {strides = array<i32>} : memref<1024xi32, #tpu.memory_space<vmem>>, vector<16xi32>,
      %get3A_196 = vector.shape_cast %get3A_195 : vector<16xi32> to vector<16xi32>
      %mul3A_197 = arith.constant 16 : i32
      %mul3A_198 = arith.muli %scan3A_190, %mul3A_197 : i32
      %add3A_199 = arith.addi %mul3A_132, %mul3A_198 : i32
      %get3A_200 = arith.index_cast %add3A_199 : i32 to index
      %get3A_201 = tpu.vector_load %arg9[%get3A_200] {strides = array<i32>} : memref<1024xi32, #tpu.memory_space<vmem>>, vector<16xi32>,
      %get3A_202 = vector.shape_cast %get3A_201 : vector<16xi32> to vector<16xi32>
      %mul3A_203 = arith.constant 16 : i32
      %mul3A_204 = arith.muli %scan3A_190, %mul3A_203 : i32
      %add3A_205 = arith.addi %add3A_136, %mul3A_204 : i32
      %add3A_206 = vector.broadcast %add3A_205 : i32 to vector<16xi32>
      %add3A_207 = arith.addi %add3A_206, %iota3A : vector<16xi32>
      %ge3A = vector.broadcast %squeeze3A : i32 to vector<16xi32>
      %ge3A_208 = arith.cmpi sge, %add3A_207, %ge3A : vector<16xi32>
      %lt3A = vector.broadcast %squeeze3A_54 : i32 to vector<16xi32>
      %lt3A_209 = arith.cmpi slt, %add3A_207, %lt3A : vector<16xi32>
      %and3A_210 = arith.andi %ge3A_208, %lt3A_209 : vector<16xi1>
      %jit3A_211 = arith.constant 0 : i32
      %broadcast_in_dim3A = vector.broadcast %jit3A_211 : i32 to vector<16xi32>
      %select_n3A_212 = arith.select %and3A_210, %get3A_196, %broadcast_in_dim3A : vector<16xi1>, vector<16xi32>
      %mul3A_213 = arith.constant 16 : i32
      %mul3A_214 = arith.muli %scan3A_190, %mul3A_213 : i32
      %swap3A = arith.constant 0 : i32
      %swap3A_215 = arith.index_cast %swap3A : i32 to index
      %swap3A_216 = arith.index_cast %mul3A_214 : i32 to index
      %swap3A_217 = tpu.vector_load %arg10[%swap3A_215, %swap3A_216] {strides = array<i32>} : memref<3x128xi32, #tpu.memory_space<vmem>>, vector<1x16xi32>,
      %swap3A_218 = vector.shape_cast %swap3A_217 : vector<1x16xi32> to vector<16xi32>
      %swap3A_219 = vector.shape_cast %select_n3A_212 : vector<16xi32> to vector<1x16xi32>
      tpu.vector_store %arg10[%swap3A_215, %swap3A_216], %swap3A_219 {strides = array<i32>} : memref<3x128xi32, #tpu.memory_space<vmem>>, vector<1x16xi32>,
      %jit3A_220 = arith.constant 25088 : i32
      %broadcast_in_dim3A_221 = vector.broadcast %jit3A_220 : i32 to vector<16xi32>
      %select_n3A_222 = arith.select %and3A_210, %get3A_202, %broadcast_in_dim3A_221 : vector<16xi1>, vector<16xi32>
      %mul3A_223 = arith.constant 16 : i32
      %mul3A_224 = arith.muli %scan3A_190, %mul3A_223 : i32
      %swap3A_225 = arith.constant 0 : i32
      %swap3A_226 = arith.index_cast %swap3A_225 : i32 to index
      %swap3A_227 = arith.index_cast %mul3A_224 : i32 to index
      %swap3A_228 = tpu.vector_load %arg11[%swap3A_226, %swap3A_227] {strides = array<i32>} : memref<3x128xi32, #tpu.memory_space<vmem>>, vector<1x16xi32>,
      %swap3A_229 = vector.shape_cast %swap3A_228 : vector<1x16xi32> to vector<16xi32>
      %swap3A_230 = vector.shape_cast %select_n3A_222 : vector<16xi32> to vector<1x16xi32>
      tpu.vector_store %arg11[%swap3A_226, %swap3A_227], %swap3A_230 {strides = array<i32>} : memref<3x128xi32, #tpu.memory_space<vmem>>, vector<1x16xi32>,
    }
    %scan3A_142 = arith.constant 8 : i32
    %dma_start3A = arith.constant 0 : i32
    %dma_start3A_143 = arith.constant 0 : i32
    %dma_start3A_144 = arith.constant 0 : i32
    %dma_start3A_145 = arith.constant 0 : i32
    %dma_start3A_146 = arith.constant 0 : i32
    %dma_start3A_147 = tpu.memref_slice %arg12[%dma_start3A_143, %dma_start3A_145, %dma_start3A_146] : memref<3x128x64xf32, #tpu.memory_space<vmem>> -> memref<1x128x64xf32, #tpu.memory_space<vmem>>
    %dma_start3A_148 = tpu.memref_squeeze %dma_start3A_147 : memref<1x128x64xf32, #tpu.memory_space<vmem>> -> memref<128x64xf32, #tpu.memory_space<vmem>>
    %dma_start3A_149 = arith.constant 0 : i32
    %dma_start3A_150 = tpu.memref_slice %arg10[%dma_start3A, %dma_start3A_149] : memref<3x128xi32, #tpu.memory_space<vmem>> -> memref<1x128xi32, #tpu.memory_space<vmem>>
    %dma_start3A_151 = tpu.memref_squeeze %dma_start3A_150 : memref<1x128xi32, #tpu.memory_space<vmem>> -> memref<128xi32, #tpu.memory_space<vmem>>
    %dma_start3A_152 = arith.constant 0 : i32
    %dma_start3A_153 = arith.constant 0 : i32
    %dma_start3A_154 = tpu.memref_slice %arg2[%dma_start3A_152, %dma_start3A_153] : memref<50000x64xf32, #tpu.memory_space<hbm>> -> memref<50000x64xf32, #tpu.memory_space<hbm>>
    %dma_start3A_155 = tpu.memref_slice %arg14[%dma_start3A_144] : memref<3x!tpu.dma_semaphore, #tpu.memory_space<semaphore_mem>> -> memref<1x!tpu.dma_semaphore, #tpu.memory_space<semaphore_mem>>
    %dma_start3A_156 = tpu.memref_squeeze %dma_start3A_155 : memref<1x!tpu.dma_semaphore, #tpu.memory_space<semaphore_mem>> -> memref<!tpu.dma_semaphore, #tpu.memory_space<semaphore_mem>>
    tpu.enqueue_indirect_dma source(%dma_start3A_154 : memref<50000x64xf32, #tpu.memory_space<hbm>>) target(%dma_start3A_148 : memref<128x64xf32, #tpu.memory_space<vmem>>) offsets(%dma_start3A_151 : memref<128xi32, #tpu.memory_space<vmem>>) semaphore(%dma_start3A_156 : memref<!tpu.dma_semaphore, #tpu.memory_space<semaphore_mem>>)
    %while3A = arith.constant 0 : i32
    %while3A_157 = arith.constant 0 : i32
    %while3A_158 = arith.subi %select_n3A_99, %while3A_157 : i32
    %while3A_159 = arith.addi %while3A_157, %while3A_158 : i32
    %while3A_160 = arith.constant 1 : i32
    %while3A_161 = arith.divsi %while3A_158, %while3A_160 : i32
    %while3A_162 = arith.muli %while3A_161, %while3A_160 : i32
    %while3A_163 = arith.addi %while3A_157, %while3A_162 : i32
    %while3A_164 = arith.constant 1 : i32
    scf.for %while3A_190 = %while3A_157 to %while3A_163 step %while3A_164  : i32 {
      %rem3A_191 = arith.constant 3 : i32
      %rem3A_192 = arith.remsi %while3A_190, %rem3A_191 : i32
      %add3A_193 = arith.constant 1 : i32
      %add3A_194 = arith.addi %while3A_190, %add3A_193 : i32
      %rem3A_195 = arith.constant 3 : i32
      %rem3A_196 = arith.remsi %add3A_194, %rem3A_195 : i32
      %ge3A = arith.constant 2 : i32
      %ge3A_197 = arith.cmpi sge, %while3A_190, %ge3A : i32
      %convert_element_type3A_198 = arith.extui %ge3A_197 : i1 to i32
      %cond3A_199 = arith.constant 0 : i32
      %cond3A_200 = arith.cmpi ne, %convert_element_type3A_198, %cond3A_199 : i32
      scf.if %cond3A_200 {
        %dma_wait3A_260 = arith.constant 0 : i32
        %dma_wait3A_261 = arith.constant 0 : i32
        %dma_wait3A_262 = tpu.memref_slice %arg12[%rem3A_196, %dma_wait3A_260, %dma_wait3A_261] : memref<3x128x64xf32, #tpu.memory_space<vmem>> -> memref<1x128x64xf32, #tpu.memory_space<vmem>>
        %dma_wait3A_263 = tpu.memref_squeeze %dma_wait3A_262 : memref<1x128x64xf32, #tpu.memory_space<vmem>> -> memref<128x64xf32, #tpu.memory_space<vmem>>
        %dma_wait3A_264 = arith.constant 0 : i32
        %dma_wait3A_265 = tpu.memref_slice %arg11[%rem3A_196, %dma_wait3A_264] : memref<3x128xi32, #tpu.memory_space<vmem>> -> memref<1x128xi32, #tpu.memory_space<vmem>>
        %dma_wait3A_266 = tpu.memref_squeeze %dma_wait3A_265 : memref<1x128xi32, #tpu.memory_space<vmem>> -> memref<128xi32, #tpu.memory_space<vmem>>
        %dma_wait3A_267 = arith.constant 0 : i32
        %dma_wait3A_268 = arith.constant 0 : i32
        %dma_wait3A_269 = tpu.memref_slice %arg13[%dma_wait3A_267, %dma_wait3A_268] : memref<25104x64xf32, #tpu.memory_space<vmem_shared>> -> memref<25104x64xf32, #tpu.memory_space<vmem_shared>>
        %dma_wait3A_270 = tpu.memref_slice %arg15[%rem3A_196] : memref<3x!tpu.dma_semaphore, #tpu.memory_space<semaphore_mem>> -> memref<1x!tpu.dma_semaphore, #tpu.memory_space<semaphore_mem>>
        %dma_wait3A_271 = tpu.memref_squeeze %dma_wait3A_270 : memref<1x!tpu.dma_semaphore, #tpu.memory_space<semaphore_mem>> -> memref<!tpu.dma_semaphore, #tpu.memory_space<semaphore_mem>>
        tpu.wait_indirect_dma semaphore(%dma_wait3A_271 : memref<!tpu.dma_semaphore, #tpu.memory_space<semaphore_mem>>) src(%dma_wait3A_263 : memref<128x64xf32, #tpu.memory_space<vmem>>) dst(%dma_wait3A_269 : memref<25104x64xf32, #tpu.memory_space<vmem_shared>>)
      } else {
      }
      %add3A_201 = arith.constant 1 : i32
      %add3A_202 = arith.addi %while3A_190, %add3A_201 : i32
      %rem3A_203 = arith.constant 8 : i32
      %rem3A_204 = arith.remsi %add3A_202, %rem3A_203 : i32
      %eq3A = arith.constant 0 : i32
      %eq3A_205 = arith.cmpi eq, %rem3A_204, %eq3A : i32
      %convert_element_type3A_206 = arith.extui %eq3A_205 : i1 to i32
      %cond3A_207 = arith.constant 0 : i32
      %cond3A_208 = arith.cmpi ne, %convert_element_type3A_206, %cond3A_207 : i32
      scf.if %cond3A_208 {
        %add3A_260 = arith.constant 1 : i32
        %add3A_261 = arith.addi %while3A_190, %add3A_260 : i32
        %jit3A_262 = arith.constant 8 : i32
        %div3A_263 = arith.divsi %add3A_261, %jit3A_262 : i32
        %sign3A_264 = arith.constant 0 : i32
        %sign3A_265 = arith.cmpi sgt, %add3A_261, %sign3A_264 : i32
        %sign3A_266 = arith.extui %sign3A_265 : i1 to i32
        %sign3A_267 = arith.constant 0 : i32
        %sign3A_268 = arith.cmpi slt, %add3A_261, %sign3A_267 : i32
        %sign3A_269 = arith.extui %sign3A_268 : i1 to i32
        %sign3A_270 = arith.subi %sign3A_266, %sign3A_269 : i32
        %sign3A_271 = arith.constant 0 : i32
        %sign3A_272 = arith.cmpi sgt, %jit3A_262, %sign3A_271 : i32
        %sign3A_273 = arith.extui %sign3A_272 : i1 to i32
        %sign3A_274 = arith.constant 0 : i32
        %sign3A_275 = arith.cmpi slt, %jit3A_262, %sign3A_274 : i32
        %sign3A_276 = arith.extui %sign3A_275 : i1 to i32
        %sign3A_277 = arith.subi %sign3A_273, %sign3A_276 : i32
        %ne3A_278 = arith.cmpi ne, %sign3A_270, %sign3A_277 : i32
        %rem3A_279 = arith.remsi %add3A_261, %jit3A_262 : i32
        %ne3A_280 = arith.constant 0 : i32
        %ne3A_281 = arith.cmpi ne, %rem3A_279, %ne3A_280 : i32
        %and3A_282 = arith.andi %ne3A_278, %ne3A_281 : i1
        %sub3A_283 = arith.constant 1 : i32
        %sub3A_284 = arith.subi %div3A_263, %sub3A_283 : i32
        %select_n3A_285 = arith.select %and3A_282, %sub3A_284, %div3A_263 : i32
        %mul3A_286 = arith.constant 1024 : i32
        %mul3A_287 = arith.muli %select_n3A_285, %mul3A_286 : i32
        %add3A_288 = arith.addi %mul3A_72, %mul3A_287 : i32
        "tpu.region"() ({
          %run_scoped3A_289 = tpu.sem_alloc : memref<!tpu.dma_semaphore, #tpu.memory_space<semaphore_mem>>
          %dma_start3A_290 = tpu.memref_slice %arg3[%add3A_288] : memref<802048xi32, #tpu.memory_space<hbm>> -> memref<1024xi32, #tpu.memory_space<hbm>>
          %dma_start3A_291 = tpu.memref_slice %arg3[%add3A_288] : memref<802048xi32, #tpu.memory_space<hbm>> -> memref<1024xi32, #tpu.memory_space<hbm>>
          tpu.enqueue_dma source(%dma_start3A_291 : memref<1024xi32, #tpu.memory_space<hbm>>) target(%arg8 : memref<1024xi32, #tpu.memory_space<vmem>>) target_semaphore(%run_scoped3A_289 : memref<!tpu.dma_semaphore, #tpu.memory_space<semaphore_mem>>)
          %dma_wait3A_292 = tpu.memref_slice %arg3[%add3A_288] : memref<802048xi32, #tpu.memory_space<hbm>> -> memref<1024xi32, #tpu.memory_space<hbm>>
          %dma_wait3A_293 = tpu.memref_slice %arg3[%add3A_288] : memref<802048xi32, #tpu.memory_space<hbm>> -> memref<1024xi32, #tpu.memory_space<hbm>>
          tpu.wait_dma2 semaphore(%run_scoped3A_289 : memref<!tpu.dma_semaphore, #tpu.memory_space<semaphore_mem>>) src(%dma_wait3A_293 : memref<1024xi32, #tpu.memory_space<hbm>>) dst(%arg8 : memref<1024xi32, #tpu.memory_space<vmem>>)
          tpu.yield
        }) : () -> ()
        "tpu.region"() ({
          %run_scoped3A_289 = tpu.sem_alloc : memref<!tpu.dma_semaphore, #tpu.memory_space<semaphore_mem>>
          %dma_start3A_290 = tpu.memref_slice %arg4[%add3A_288] : memref<802048xi32, #tpu.memory_space<hbm>> -> memref<1024xi32, #tpu.memory_space<hbm>>
          %dma_start3A_291 = tpu.memref_slice %arg4[%add3A_288] : memref<802048xi32, #tpu.memory_space<hbm>> -> memref<1024xi32, #tpu.memory_space<hbm>>
          tpu.enqueue_dma source(%dma_start3A_291 : memref<1024xi32, #tpu.memory_space<hbm>>) target(%arg9 : memref<1024xi32, #tpu.memory_space<vmem>>) target_semaphore(%run_scoped3A_289 : memref<!tpu.dma_semaphore, #tpu.memory_space<semaphore_mem>>)
          %dma_wait3A_292 = tpu.memref_slice %arg4[%add3A_288] : memref<802048xi32, #tpu.memory_space<hbm>> -> memref<1024xi32, #tpu.memory_space<hbm>>
          %dma_wait3A_293 = tpu.memref_slice %arg4[%add3A_288] : memref<802048xi32, #tpu.memory_space<hbm>> -> memref<1024xi32, #tpu.memory_space<hbm>>
          tpu.wait_dma2 semaphore(%run_scoped3A_289 : memref<!tpu.dma_semaphore, #tpu.memory_space<semaphore_mem>>) src(%dma_wait3A_293 : memref<1024xi32, #tpu.memory_space<hbm>>) dst(%arg9 : memref<1024xi32, #tpu.memory_space<vmem>>)
          tpu.yield
        }) : () -> ()
      } else {
      }
      %add3A_209 = arith.constant 1 : i32
      %add3A_210 = arith.addi %while3A_190, %add3A_209 : i32
      %rem3A_211 = arith.constant 8 : i32
      %rem3A_212 = arith.remsi %add3A_210, %rem3A_211 : i32
      %mul3A_213 = arith.constant 128 : i32
      %mul3A_214 = arith.muli %rem3A_212, %mul3A_213 : i32
      %mul3A_215 = arith.constant 128 : i32
      %mul3A_216 = arith.muli %add3A_210, %mul3A_215 : i32
      %add3A_217 = arith.addi %mul3A_72, %mul3A_216 : i32
      %scan3A_218 = arith.constant 0 : i32
      %scan3A_219 = arith.constant 0 : i32
      %scan3A_220 = arith.constant 8 : i32
      %scan3A_221 = arith.addi %scan3A_219, %scan3A_220 : i32
      %scan3A_222 = arith.constant 1 : i32
      scf.for %scan3A_260 = %scan3A_219 to %scan3A_221 step %scan3A_222  : i32 {
        %mul3A_261 = arith.constant 16 : i32
        %mul3A_262 = arith.muli %scan3A_260, %mul3A_261 : i32
        %add3A_263 = arith.addi %mul3A_214, %mul3A_262 : i32
        %get3A_264 = arith.index_cast %add3A_263 : i32 to index
        %get3A_265 = tpu.vector_load %arg8[%get3A_264] {strides = array<i32>} : memref<1024xi32, #tpu.memory_space<vmem>>, vector<16xi32>,
        %get3A_266 = vector.shape_cast %get3A_265 : vector<16xi32> to vector<16xi32>
        %mul3A_267 = arith.constant 16 : i32
        %mul3A_268 = arith.muli %scan3A_260, %mul3A_267 : i32
        %add3A_269 = arith.addi %mul3A_214, %mul3A_268 : i32
        %get3A_270 = arith.index_cast %add3A_269 : i32 to index
        %get3A_271 = tpu.vector_load %arg9[%get3A_270] {strides = array<i32>} : memref<1024xi32, #tpu.memory_space<vmem>>, vector<16xi32>,
        %get3A_272 = vector.shape_cast %get3A_271 : vector<16xi32> to vector<16xi32>
        %mul3A_273 = arith.constant 16 : i32
        %mul3A_274 = arith.muli %scan3A_260, %mul3A_273 : i32
        %add3A_275 = arith.addi %add3A_217, %mul3A_274 : i32
        %add3A_276 = vector.broadcast %add3A_275 : i32 to vector<16xi32>
        %add3A_277 = arith.addi %add3A_276, %iota3A : vector<16xi32>
        %ge3A_278 = vector.broadcast %squeeze3A : i32 to vector<16xi32>
        %ge3A_279 = arith.cmpi sge, %add3A_277, %ge3A_278 : vector<16xi32>
        %lt3A = vector.broadcast %squeeze3A_54 : i32 to vector<16xi32>
        %lt3A_280 = arith.cmpi slt, %add3A_277, %lt3A : vector<16xi32>
        %and3A_281 = arith.andi %ge3A_279, %lt3A_280 : vector<16xi1>
        %jit3A_282 = arith.constant 0 : i32
        %broadcast_in_dim3A = vector.broadcast %jit3A_282 : i32 to vector<16xi32>
        %select_n3A_283 = arith.select %and3A_281, %get3A_266, %broadcast_in_dim3A : vector<16xi1>, vector<16xi32>
        %mul3A_284 = arith.constant 16 : i32
        %mul3A_285 = arith.muli %scan3A_260, %mul3A_284 : i32
        %swap3A = arith.index_cast %rem3A_196 : i32 to index
        %swap3A_286 = arith.index_cast %mul3A_285 : i32 to index
        %swap3A_287 = tpu.vector_load %arg10[%swap3A, %swap3A_286] {strides = array<i32>} : memref<3x128xi32, #tpu.memory_space<vmem>>, vector<1x16xi32>,
        %swap3A_288 = vector.shape_cast %swap3A_287 : vector<1x16xi32> to vector<16xi32>
        %swap3A_289 = vector.shape_cast %select_n3A_283 : vector<16xi32> to vector<1x16xi32>
        tpu.vector_store %arg10[%swap3A, %swap3A_286], %swap3A_289 {strides = array<i32>} : memref<3x128xi32, #tpu.memory_space<vmem>>, vector<1x16xi32>,
        %jit3A_290 = arith.constant 25088 : i32
        %broadcast_in_dim3A_291 = vector.broadcast %jit3A_290 : i32 to vector<16xi32>
        %select_n3A_292 = arith.select %and3A_281, %get3A_272, %broadcast_in_dim3A_291 : vector<16xi1>, vector<16xi32>
        %mul3A_293 = arith.constant 16 : i32
        %mul3A_294 = arith.muli %scan3A_260, %mul3A_293 : i32
        %swap3A_295 = arith.index_cast %rem3A_196 : i32 to index
        %swap3A_296 = arith.index_cast %mul3A_294 : i32 to index
        %swap3A_297 = tpu.vector_load %arg11[%swap3A_295, %swap3A_296] {strides = array<i32>} : memref<3x128xi32, #tpu.memory_space<vmem>>, vector<1x16xi32>,
        %swap3A_298 = vector.shape_cast %swap3A_297 : vector<1x16xi32> to vector<16xi32>
        %swap3A_299 = vector.shape_cast %select_n3A_292 : vector<16xi32> to vector<1x16xi32>
        tpu.vector_store %arg11[%swap3A_295, %swap3A_296], %swap3A_299 {strides = array<i32>} : memref<3x128xi32, #tpu.memory_space<vmem>>, vector<1x16xi32>,
      }
      %scan3A_223 = arith.constant 8 : i32
      %dma_start3A_224 = arith.constant 0 : i32
      %dma_start3A_225 = arith.constant 0 : i32
      %dma_start3A_226 = tpu.memref_slice %arg12[%rem3A_196, %dma_start3A_224, %dma_start3A_225] : memref<3x128x64xf32, #tpu.memory_space<vmem>> -> memref<1x128x64xf32, #tpu.memory_space<vmem>>
      %dma_start3A_227 = tpu.memref_squeeze %dma_start3A_226 : memref<1x128x64xf32, #tpu.memory_space<vmem>> -> memref<128x64xf32, #tpu.memory_space<vmem>>
      %dma_start3A_228 = arith.constant 0 : i32
      %dma_start3A_229 = tpu.memref_slice %arg10[%rem3A_196, %dma_start3A_228] : memref<3x128xi32, #tpu.memory_space<vmem>> -> memref<1x128xi32, #tpu.memory_space<vmem>>
      %dma_start3A_230 = tpu.memref_squeeze %dma_start3A_229 : memref<1x128xi32, #tpu.memory_space<vmem>> -> memref<128xi32, #tpu.memory_space<vmem>>
      %dma_start3A_231 = arith.constant 0 : i32
      %dma_start3A_232 = arith.constant 0 : i32
      %dma_start3A_233 = tpu.memref_slice %arg2[%dma_start3A_231, %dma_start3A_232] : memref<50000x64xf32, #tpu.memory_space<hbm>> -> memref<50000x64xf32, #tpu.memory_space<hbm>>
      %dma_start3A_234 = tpu.memref_slice %arg14[%rem3A_196] : memref<3x!tpu.dma_semaphore, #tpu.memory_space<semaphore_mem>> -> memref<1x!tpu.dma_semaphore, #tpu.memory_space<semaphore_mem>>
      %dma_start3A_235 = tpu.memref_squeeze %dma_start3A_234 : memref<1x!tpu.dma_semaphore, #tpu.memory_space<semaphore_mem>> -> memref<!tpu.dma_semaphore, #tpu.memory_space<semaphore_mem>>
      tpu.enqueue_indirect_dma source(%dma_start3A_233 : memref<50000x64xf32, #tpu.memory_space<hbm>>) target(%dma_start3A_227 : memref<128x64xf32, #tpu.memory_space<vmem>>) offsets(%dma_start3A_230 : memref<128xi32, #tpu.memory_space<vmem>>) semaphore(%dma_start3A_235 : memref<!tpu.dma_semaphore, #tpu.memory_space<semaphore_mem>>)
      %dma_wait3A_236 = arith.constant 0 : i32
      %dma_wait3A_237 = arith.constant 0 : i32
      %dma_wait3A_238 = tpu.memref_slice %arg12[%rem3A_192, %dma_wait3A_236, %dma_wait3A_237] : memref<3x128x64xf32, #tpu.memory_space<vmem>> -> memref<1x128x64xf32, #tpu.memory_space<vmem>>
      %dma_wait3A_239 = tpu.memref_squeeze %dma_wait3A_238 : memref<1x128x64xf32, #tpu.memory_space<vmem>> -> memref<128x64xf32, #tpu.memory_space<vmem>>
      %dma_wait3A_240 = arith.constant 0 : i32
      %dma_wait3A_241 = tpu.memref_slice %arg10[%rem3A_192, %dma_wait3A_240] : memref<3x128xi32, #tpu.memory_space<vmem>> -> memref<1x128xi32, #tpu.memory_space<vmem>>
      %dma_wait3A_242 = tpu.memref_squeeze %dma_wait3A_241 : memref<1x128xi32, #tpu.memory_space<vmem>> -> memref<128xi32, #tpu.memory_space<vmem>>
      %dma_wait3A_243 = arith.constant 0 : i32
      %dma_wait3A_244 = arith.constant 0 : i32
      %dma_wait3A_245 = tpu.memref_slice %arg2[%dma_wait3A_243, %dma_wait3A_244] : memref<50000x64xf32, #tpu.memory_space<hbm>> -> memref<50000x64xf32, #tpu.memory_space<hbm>>
      %dma_wait3A_246 = tpu.memref_slice %arg14[%rem3A_192] : memref<3x!tpu.dma_semaphore, #tpu.memory_space<semaphore_mem>> -> memref<1x!tpu.dma_semaphore, #tpu.memory_space<semaphore_mem>>
      %dma_wait3A_247 = tpu.memref_squeeze %dma_wait3A_246 : memref<1x!tpu.dma_semaphore, #tpu.memory_space<semaphore_mem>> -> memref<!tpu.dma_semaphore, #tpu.memory_space<semaphore_mem>>
      tpu.wait_indirect_dma semaphore(%dma_wait3A_247 : memref<!tpu.dma_semaphore, #tpu.memory_space<semaphore_mem>>) src(%dma_wait3A_245 : memref<50000x64xf32, #tpu.memory_space<hbm>>) dst(%dma_wait3A_239 : memref<128x64xf32, #tpu.memory_space<vmem>>)
      %dma_start3A_248 = arith.constant 0 : i32
      %dma_start3A_249 = arith.constant 0 : i32
      %dma_start3A_250 = tpu.memref_slice %arg12[%rem3A_192, %dma_start3A_248, %dma_start3A_249] : memref<3x128x64xf32, #tpu.memory_space<vmem>> -> memref<1x128x64xf32, #tpu.memory_space<vmem>>
      %dma_start3A_251 = tpu.memref_squeeze %dma_start3A_250 : memref<1x128x64xf32, #tpu.memory_space<vmem>> -> memref<128x64xf32, #tpu.memory_space<vmem>>
      %dma_start3A_252 = arith.constant 0 : i32
      %dma_start3A_253 = tpu.memref_slice %arg11[%rem3A_192, %dma_start3A_252] : memref<3x128xi32, #tpu.memory_space<vmem>> -> memref<1x128xi32, #tpu.memory_space<vmem>>
      %dma_start3A_254 = tpu.memref_squeeze %dma_start3A_253 : memref<1x128xi32, #tpu.memory_space<vmem>> -> memref<128xi32, #tpu.memory_space<vmem>>
      %dma_start3A_255 = arith.constant 0 : i32
      %dma_start3A_256 = arith.constant 0 : i32
      %dma_start3A_257 = tpu.memref_slice %arg13[%dma_start3A_255, %dma_start3A_256] : memref<25104x64xf32, #tpu.memory_space<vmem_shared>> -> memref<25104x64xf32, #tpu.memory_space<vmem_shared>>
      %dma_start3A_258 = tpu.memref_slice %arg15[%rem3A_192] : memref<3x!tpu.dma_semaphore, #tpu.memory_space<semaphore_mem>> -> memref<1x!tpu.dma_semaphore, #tpu.memory_space<semaphore_mem>>
      %dma_start3A_259 = tpu.memref_squeeze %dma_start3A_258 : memref<1x!tpu.dma_semaphore, #tpu.memory_space<semaphore_mem>> -> memref<!tpu.dma_semaphore, #tpu.memory_space<semaphore_mem>>
      tpu.enqueue_indirect_dma source(%dma_start3A_251 : memref<128x64xf32, #tpu.memory_space<vmem>>) target(%dma_start3A_257 : memref<25104x64xf32, #tpu.memory_space<vmem_shared>>) offsets(%dma_start3A_254 : memref<128xi32, #tpu.memory_space<vmem>>) semaphore(%dma_start3A_259 : memref<!tpu.dma_semaphore, #tpu.memory_space<semaphore_mem>>) {add = true}
    }
    %while3A_165 = arith.constant 1 : i32
    scf.for %while3A_190 = %while3A_163 to %while3A_159 step %while3A_165  : i32 {
      %rem3A_191 = arith.constant 3 : i32
      %rem3A_192 = arith.remsi %while3A_190, %rem3A_191 : i32
      %add3A_193 = arith.constant 1 : i32
      %add3A_194 = arith.addi %while3A_190, %add3A_193 : i32
      %rem3A_195 = arith.constant 3 : i32
      %rem3A_196 = arith.remsi %add3A_194, %rem3A_195 : i32
      %ge3A = arith.constant 2 : i32
      %ge3A_197 = arith.cmpi sge, %while3A_190, %ge3A : i32
      %convert_element_type3A_198 = arith.extui %ge3A_197 : i1 to i32
      %cond3A_199 = arith.constant 0 : i32
      %cond3A_200 = arith.cmpi ne, %convert_element_type3A_198, %cond3A_199 : i32
      scf.if %cond3A_200 {
        %dma_wait3A_260 = arith.constant 0 : i32
        %dma_wait3A_261 = arith.constant 0 : i32
        %dma_wait3A_262 = tpu.memref_slice %arg12[%rem3A_196, %dma_wait3A_260, %dma_wait3A_261] : memref<3x128x64xf32, #tpu.memory_space<vmem>> -> memref<1x128x64xf32, #tpu.memory_space<vmem>>
        %dma_wait3A_263 = tpu.memref_squeeze %dma_wait3A_262 : memref<1x128x64xf32, #tpu.memory_space<vmem>> -> memref<128x64xf32, #tpu.memory_space<vmem>>
        %dma_wait3A_264 = arith.constant 0 : i32
        %dma_wait3A_265 = tpu.memref_slice %arg11[%rem3A_196, %dma_wait3A_264] : memref<3x128xi32, #tpu.memory_space<vmem>> -> memref<1x128xi32, #tpu.memory_space<vmem>>
        %dma_wait3A_266 = tpu.memref_squeeze %dma_wait3A_265 : memref<1x128xi32, #tpu.memory_space<vmem>> -> memref<128xi32, #tpu.memory_space<vmem>>
        %dma_wait3A_267 = arith.constant 0 : i32
        %dma_wait3A_268 = arith.constant 0 : i32
        %dma_wait3A_269 = tpu.memref_slice %arg13[%dma_wait3A_267, %dma_wait3A_268] : memref<25104x64xf32, #tpu.memory_space<vmem_shared>> -> memref<25104x64xf32, #tpu.memory_space<vmem_shared>>
        %dma_wait3A_270 = tpu.memref_slice %arg15[%rem3A_196] : memref<3x!tpu.dma_semaphore, #tpu.memory_space<semaphore_mem>> -> memref<1x!tpu.dma_semaphore, #tpu.memory_space<semaphore_mem>>
        %dma_wait3A_271 = tpu.memref_squeeze %dma_wait3A_270 : memref<1x!tpu.dma_semaphore, #tpu.memory_space<semaphore_mem>> -> memref<!tpu.dma_semaphore, #tpu.memory_space<semaphore_mem>>
        tpu.wait_indirect_dma semaphore(%dma_wait3A_271 : memref<!tpu.dma_semaphore, #tpu.memory_space<semaphore_mem>>) src(%dma_wait3A_263 : memref<128x64xf32, #tpu.memory_space<vmem>>) dst(%dma_wait3A_269 : memref<25104x64xf32, #tpu.memory_space<vmem_shared>>)
      } else {
      }
      %add3A_201 = arith.constant 1 : i32
      %add3A_202 = arith.addi %while3A_190, %add3A_201 : i32
      %rem3A_203 = arith.constant 8 : i32
      %rem3A_204 = arith.remsi %add3A_202, %rem3A_203 : i32
      %eq3A = arith.constant 0 : i32
      %eq3A_205 = arith.cmpi eq, %rem3A_204, %eq3A : i32
      %convert_element_type3A_206 = arith.extui %eq3A_205 : i1 to i32
      %cond3A_207 = arith.constant 0 : i32
      %cond3A_208 = arith.cmpi ne, %convert_element_type3A_206, %cond3A_207 : i32
      scf.if %cond3A_208 {
        %add3A_260 = arith.constant 1 : i32
        %add3A_261 = arith.addi %while3A_190, %add3A_260 : i32
        %jit3A_262 = arith.constant 8 : i32
        %div3A_263 = arith.divsi %add3A_261, %jit3A_262 : i32
        %sign3A_264 = arith.constant 0 : i32
        %sign3A_265 = arith.cmpi sgt, %add3A_261, %sign3A_264 : i32
        %sign3A_266 = arith.extui %sign3A_265 : i1 to i32
        %sign3A_267 = arith.constant 0 : i32
        %sign3A_268 = arith.cmpi slt, %add3A_261, %sign3A_267 : i32
        %sign3A_269 = arith.extui %sign3A_268 : i1 to i32
        %sign3A_270 = arith.subi %sign3A_266, %sign3A_269 : i32
        %sign3A_271 = arith.constant 0 : i32
        %sign3A_272 = arith.cmpi sgt, %jit3A_262, %sign3A_271 : i32
        %sign3A_273 = arith.extui %sign3A_272 : i1 to i32
        %sign3A_274 = arith.constant 0 : i32
        %sign3A_275 = arith.cmpi slt, %jit3A_262, %sign3A_274 : i32
        %sign3A_276 = arith.extui %sign3A_275 : i1 to i32
        %sign3A_277 = arith.subi %sign3A_273, %sign3A_276 : i32
        %ne3A_278 = arith.cmpi ne, %sign3A_270, %sign3A_277 : i32
        %rem3A_279 = arith.remsi %add3A_261, %jit3A_262 : i32
        %ne3A_280 = arith.constant 0 : i32
        %ne3A_281 = arith.cmpi ne, %rem3A_279, %ne3A_280 : i32
        %and3A_282 = arith.andi %ne3A_278, %ne3A_281 : i1
        %sub3A_283 = arith.constant 1 : i32
        %sub3A_284 = arith.subi %div3A_263, %sub3A_283 : i32
        %select_n3A_285 = arith.select %and3A_282, %sub3A_284, %div3A_263 : i32
        %mul3A_286 = arith.constant 1024 : i32
        %mul3A_287 = arith.muli %select_n3A_285, %mul3A_286 : i32
        %add3A_288 = arith.addi %mul3A_72, %mul3A_287 : i32
        "tpu.region"() ({
          %run_scoped3A_289 = tpu.sem_alloc : memref<!tpu.dma_semaphore, #tpu.memory_space<semaphore_mem>>
          %dma_start3A_290 = tpu.memref_slice %arg3[%add3A_288] : memref<802048xi32, #tpu.memory_space<hbm>> -> memref<1024xi32, #tpu.memory_space<hbm>>
          %dma_start3A_291 = tpu.memref_slice %arg3[%add3A_288] : memref<802048xi32, #tpu.memory_space<hbm>> -> memref<1024xi32, #tpu.memory_space<hbm>>
          tpu.enqueue_dma source(%dma_start3A_291 : memref<1024xi32, #tpu.memory_space<hbm>>) target(%arg8 : memref<1024xi32, #tpu.memory_space<vmem>>) target_semaphore(%run_scoped3A_289 : memref<!tpu.dma_semaphore, #tpu.memory_space<semaphore_mem>>)
          %dma_wait3A_292 = tpu.memref_slice %arg3[%add3A_288] : memref<802048xi32, #tpu.memory_space<hbm>> -> memref<1024xi32, #tpu.memory_space<hbm>>
          %dma_wait3A_293 = tpu.memref_slice %arg3[%add3A_288] : memref<802048xi32, #tpu.memory_space<hbm>> -> memref<1024xi32, #tpu.memory_space<hbm>>
          tpu.wait_dma2 semaphore(%run_scoped3A_289 : memref<!tpu.dma_semaphore, #tpu.memory_space<semaphore_mem>>) src(%dma_wait3A_293 : memref<1024xi32, #tpu.memory_space<hbm>>) dst(%arg8 : memref<1024xi32, #tpu.memory_space<vmem>>)
          tpu.yield
        }) : () -> ()
        "tpu.region"() ({
          %run_scoped3A_289 = tpu.sem_alloc : memref<!tpu.dma_semaphore, #tpu.memory_space<semaphore_mem>>
          %dma_start3A_290 = tpu.memref_slice %arg4[%add3A_288] : memref<802048xi32, #tpu.memory_space<hbm>> -> memref<1024xi32, #tpu.memory_space<hbm>>
          %dma_start3A_291 = tpu.memref_slice %arg4[%add3A_288] : memref<802048xi32, #tpu.memory_space<hbm>> -> memref<1024xi32, #tpu.memory_space<hbm>>
          tpu.enqueue_dma source(%dma_start3A_291 : memref<1024xi32, #tpu.memory_space<hbm>>) target(%arg9 : memref<1024xi32, #tpu.memory_space<vmem>>) target_semaphore(%run_scoped3A_289 : memref<!tpu.dma_semaphore, #tpu.memory_space<semaphore_mem>>)
          %dma_wait3A_292 = tpu.memref_slice %arg4[%add3A_288] : memref<802048xi32, #tpu.memory_space<hbm>> -> memref<1024xi32, #tpu.memory_space<hbm>>
          %dma_wait3A_293 = tpu.memref_slice %arg4[%add3A_288] : memref<802048xi32, #tpu.memory_space<hbm>> -> memref<1024xi32, #tpu.memory_space<hbm>>
          tpu.wait_dma2 semaphore(%run_scoped3A_289 : memref<!tpu.dma_semaphore, #tpu.memory_space<semaphore_mem>>) src(%dma_wait3A_293 : memref<1024xi32, #tpu.memory_space<hbm>>) dst(%arg9 : memref<1024xi32, #tpu.memory_space<vmem>>)
          tpu.yield
        }) : () -> ()
      } else {
      }
      %add3A_209 = arith.constant 1 : i32
      %add3A_210 = arith.addi %while3A_190, %add3A_209 : i32
      %rem3A_211 = arith.constant 8 : i32
      %rem3A_212 = arith.remsi %add3A_210, %rem3A_211 : i32
      %mul3A_213 = arith.constant 128 : i32
      %mul3A_214 = arith.muli %rem3A_212, %mul3A_213 : i32
      %mul3A_215 = arith.constant 128 : i32
      %mul3A_216 = arith.muli %add3A_210, %mul3A_215 : i32
      %add3A_217 = arith.addi %mul3A_72, %mul3A_216 : i32
      %scan3A_218 = arith.constant 0 : i32
      %scan3A_219 = arith.constant 0 : i32
      %scan3A_220 = arith.constant 8 : i32
      %scan3A_221 = arith.addi %scan3A_219, %scan3A_220 : i32
      %scan3A_222 = arith.constant 1 : i32
      scf.for %scan3A_260 = %scan3A_219 to %scan3A_221 step %scan3A_222  : i32 {
        %mul3A_261 = arith.constant 16 : i32
        %mul3A_262 = arith.muli %scan3A_260, %mul3A_261 : i32
        %add3A_263 = arith.addi %mul3A_214, %mul3A_262 : i32
        %get3A_264 = arith.index_cast %add3A_263 : i32 to index
        %get3A_265 = tpu.vector_load %arg8[%get3A_264] {strides = array<i32>} : memref<1024xi32, #tpu.memory_space<vmem>>, vector<16xi32>,
        %get3A_266 = vector.shape_cast %get3A_265 : vector<16xi32> to vector<16xi32>
        %mul3A_267 = arith.constant 16 : i32
        %mul3A_268 = arith.muli %scan3A_260, %mul3A_267 : i32
        %add3A_269 = arith.addi %mul3A_214, %mul3A_268 : i32
        %get3A_270 = arith.index_cast %add3A_269 : i32 to index
        %get3A_271 = tpu.vector_load %arg9[%get3A_270] {strides = array<i32>} : memref<1024xi32, #tpu.memory_space<vmem>>, vector<16xi32>,
        %get3A_272 = vector.shape_cast %get3A_271 : vector<16xi32> to vector<16xi32>
        %mul3A_273 = arith.constant 16 : i32
        %mul3A_274 = arith.muli %scan3A_260, %mul3A_273 : i32
        %add3A_275 = arith.addi %add3A_217, %mul3A_274 : i32
        %add3A_276 = vector.broadcast %add3A_275 : i32 to vector<16xi32>
        %add3A_277 = arith.addi %add3A_276, %iota3A : vector<16xi32>
        %ge3A_278 = vector.broadcast %squeeze3A : i32 to vector<16xi32>
        %ge3A_279 = arith.cmpi sge, %add3A_277, %ge3A_278 : vector<16xi32>
        %lt3A = vector.broadcast %squeeze3A_54 : i32 to vector<16xi32>
        %lt3A_280 = arith.cmpi slt, %add3A_277, %lt3A : vector<16xi32>
        %and3A_281 = arith.andi %ge3A_279, %lt3A_280 : vector<16xi1>
        %jit3A_282 = arith.constant 0 : i32
        %broadcast_in_dim3A = vector.broadcast %jit3A_282 : i32 to vector<16xi32>
        %select_n3A_283 = arith.select %and3A_281, %get3A_266, %broadcast_in_dim3A : vector<16xi1>, vector<16xi32>
        %mul3A_284 = arith.constant 16 : i32
        %mul3A_285 = arith.muli %scan3A_260, %mul3A_284 : i32
        %swap3A = arith.index_cast %rem3A_196 : i32 to index
        %swap3A_286 = arith.index_cast %mul3A_285 : i32 to index
        %swap3A_287 = tpu.vector_load %arg10[%swap3A, %swap3A_286] {strides = array<i32>} : memref<3x128xi32, #tpu.memory_space<vmem>>, vector<1x16xi32>,
        %swap3A_288 = vector.shape_cast %swap3A_287 : vector<1x16xi32> to vector<16xi32>
        %swap3A_289 = vector.shape_cast %select_n3A_283 : vector<16xi32> to vector<1x16xi32>
        tpu.vector_store %arg10[%swap3A, %swap3A_286], %swap3A_289 {strides = array<i32>} : memref<3x128xi32, #tpu.memory_space<vmem>>, vector<1x16xi32>,
        %jit3A_290 = arith.constant 25088 : i32
        %broadcast_in_dim3A_291 = vector.broadcast %jit3A_290 : i32 to vector<16xi32>
        %select_n3A_292 = arith.select %and3A_281, %get3A_272, %broadcast_in_dim3A_291 : vector<16xi1>, vector<16xi32>
        %mul3A_293 = arith.constant 16 : i32
        %mul3A_294 = arith.muli %scan3A_260, %mul3A_293 : i32
        %swap3A_295 = arith.index_cast %rem3A_196 : i32 to index
        %swap3A_296 = arith.index_cast %mul3A_294 : i32 to index
        %swap3A_297 = tpu.vector_load %arg11[%swap3A_295, %swap3A_296] {strides = array<i32>} : memref<3x128xi32, #tpu.memory_space<vmem>>, vector<1x16xi32>,
        %swap3A_298 = vector.shape_cast %swap3A_297 : vector<1x16xi32> to vector<16xi32>
        %swap3A_299 = vector.shape_cast %select_n3A_292 : vector<16xi32> to vector<1x16xi32>
        tpu.vector_store %arg11[%swap3A_295, %swap3A_296], %swap3A_299 {strides = array<i32>} : memref<3x128xi32, #tpu.memory_space<vmem>>, vector<1x16xi32>,
      }
      %scan3A_223 = arith.constant 8 : i32
      %dma_start3A_224 = arith.constant 0 : i32
      %dma_start3A_225 = arith.constant 0 : i32
      %dma_start3A_226 = tpu.memref_slice %arg12[%rem3A_196, %dma_start3A_224, %dma_start3A_225] : memref<3x128x64xf32, #tpu.memory_space<vmem>> -> memref<1x128x64xf32, #tpu.memory_space<vmem>>
      %dma_start3A_227 = tpu.memref_squeeze %dma_start3A_226 : memref<1x128x64xf32, #tpu.memory_space<vmem>> -> memref<128x64xf32, #tpu.memory_space<vmem>>
      %dma_start3A_228 = arith.constant 0 : i32
      %dma_start3A_229 = tpu.memref_slice %arg10[%rem3A_196, %dma_start3A_228] : memref<3x128xi32, #tpu.memory_space<vmem>> -> memref<1x128xi32, #tpu.memory_space<vmem>>
      %dma_start3A_230 = tpu.memref_squeeze %dma_start3A_229 : memref<1x128xi32, #tpu.memory_space<vmem>> -> memref<128xi32, #tpu.memory_space<vmem>>
      %dma_start3A_231 = arith.constant 0 : i32
      %dma_start3A_232 = arith.constant 0 : i32
      %dma_start3A_233 = tpu.memref_slice %arg2[%dma_start3A_231, %dma_start3A_232] : memref<50000x64xf32, #tpu.memory_space<hbm>> -> memref<50000x64xf32, #tpu.memory_space<hbm>>
      %dma_start3A_234 = tpu.memref_slice %arg14[%rem3A_196] : memref<3x!tpu.dma_semaphore, #tpu.memory_space<semaphore_mem>> -> memref<1x!tpu.dma_semaphore, #tpu.memory_space<semaphore_mem>>
      %dma_start3A_235 = tpu.memref_squeeze %dma_start3A_234 : memref<1x!tpu.dma_semaphore, #tpu.memory_space<semaphore_mem>> -> memref<!tpu.dma_semaphore, #tpu.memory_space<semaphore_mem>>
      tpu.enqueue_indirect_dma source(%dma_start3A_233 : memref<50000x64xf32, #tpu.memory_space<hbm>>) target(%dma_start3A_227 : memref<128x64xf32, #tpu.memory_space<vmem>>) offsets(%dma_start3A_230 : memref<128xi32, #tpu.memory_space<vmem>>) semaphore(%dma_start3A_235 : memref<!tpu.dma_semaphore, #tpu.memory_space<semaphore_mem>>)
      %dma_wait3A_236 = arith.constant 0 : i32
      %dma_wait3A_237 = arith.constant 0 : i32
      %dma_wait3A_238 = tpu.memref_slice %arg12[%rem3A_192, %dma_wait3A_236, %dma_wait3A_237] : memref<3x128x64xf32, #tpu.memory_space<vmem>> -> memref<1x128x64xf32, #tpu.memory_space<vmem>>
      %dma_wait3A_239 = tpu.memref_squeeze %dma_wait3A_238 : memref<1x128x64xf32, #tpu.memory_space<vmem>> -> memref<128x64xf32, #tpu.memory_space<vmem>>
      %dma_wait3A_240 = arith.constant 0 : i32
      %dma_wait3A_241 = tpu.memref_slice %arg10[%rem3A_192, %dma_wait3A_240] : memref<3x128xi32, #tpu.memory_space<vmem>> -> memref<1x128xi32, #tpu.memory_space<vmem>>
      %dma_wait3A_242 = tpu.memref_squeeze %dma_wait3A_241 : memref<1x128xi32, #tpu.memory_space<vmem>> -> memref<128xi32, #tpu.memory_space<vmem>>
      %dma_wait3A_243 = arith.constant 0 : i32
      %dma_wait3A_244 = arith.constant 0 : i32
      %dma_wait3A_245 = tpu.memref_slice %arg2[%dma_wait3A_243, %dma_wait3A_244] : memref<50000x64xf32, #tpu.memory_space<hbm>> -> memref<50000x64xf32, #tpu.memory_space<hbm>>
      %dma_wait3A_246 = tpu.memref_slice %arg14[%rem3A_192] : memref<3x!tpu.dma_semaphore, #tpu.memory_space<semaphore_mem>> -> memref<1x!tpu.dma_semaphore, #tpu.memory_space<semaphore_mem>>
      %dma_wait3A_247 = tpu.memref_squeeze %dma_wait3A_246 : memref<1x!tpu.dma_semaphore, #tpu.memory_space<semaphore_mem>> -> memref<!tpu.dma_semaphore, #tpu.memory_space<semaphore_mem>>
      tpu.wait_indirect_dma semaphore(%dma_wait3A_247 : memref<!tpu.dma_semaphore, #tpu.memory_space<semaphore_mem>>) src(%dma_wait3A_245 : memref<50000x64xf32, #tpu.memory_space<hbm>>) dst(%dma_wait3A_239 : memref<128x64xf32, #tpu.memory_space<vmem>>)
      %dma_start3A_248 = arith.constant 0 : i32
      %dma_start3A_249 = arith.constant 0 : i32
      %dma_start3A_250 = tpu.memref_slice %arg12[%rem3A_192, %dma_start3A_248, %dma_start3A_249] : memref<3x128x64xf32, #tpu.memory_space<vmem>> -> memref<1x128x64xf32, #tpu.memory_space<vmem>>
      %dma_start3A_251 = tpu.memref_squeeze %dma_start3A_250 : memref<1x128x64xf32, #tpu.memory_space<vmem>> -> memref<128x64xf32, #tpu.memory_space<vmem>>
      %dma_start3A_252 = arith.constant 0 : i32
      %dma_start3A_253 = tpu.memref_slice %arg11[%rem3A_192, %dma_start3A_252] : memref<3x128xi32, #tpu.memory_space<vmem>> -> memref<1x128xi32, #tpu.memory_space<vmem>>
      %dma_start3A_254 = tpu.memref_squeeze %dma_start3A_253 : memref<1x128xi32, #tpu.memory_space<vmem>> -> memref<128xi32, #tpu.memory_space<vmem>>
      %dma_start3A_255 = arith.constant 0 : i32
      %dma_start3A_256 = arith.constant 0 : i32
      %dma_start3A_257 = tpu.memref_slice %arg13[%dma_start3A_255, %dma_start3A_256] : memref<25104x64xf32, #tpu.memory_space<vmem_shared>> -> memref<25104x64xf32, #tpu.memory_space<vmem_shared>>
      %dma_start3A_258 = tpu.memref_slice %arg15[%rem3A_192] : memref<3x!tpu.dma_semaphore, #tpu.memory_space<semaphore_mem>> -> memref<1x!tpu.dma_semaphore, #tpu.memory_space<semaphore_mem>>
      %dma_start3A_259 = tpu.memref_squeeze %dma_start3A_258 : memref<1x!tpu.dma_semaphore, #tpu.memory_space<semaphore_mem>> -> memref<!tpu.dma_semaphore, #tpu.memory_space<semaphore_mem>>
      tpu.enqueue_indirect_dma source(%dma_start3A_251 : memref<128x64xf32, #tpu.memory_space<vmem>>) target(%dma_start3A_257 : memref<25104x64xf32, #tpu.memory_space<vmem_shared>>) offsets(%dma_start3A_254 : memref<128xi32, #tpu.memory_space<vmem>>) semaphore(%dma_start3A_259 : memref<!tpu.dma_semaphore, #tpu.memory_space<semaphore_mem>>) {add = true}
    }
    %rem3A_166 = arith.constant 3 : i32
    %rem3A_167 = arith.remsi %select_n3A_99, %rem3A_166 : i32
    %dma_wait3A = arith.constant 0 : i32
    %dma_wait3A_168 = arith.constant 0 : i32
    %dma_wait3A_169 = tpu.memref_slice %arg12[%rem3A_167, %dma_wait3A, %dma_wait3A_168] : memref<3x128x64xf32, #tpu.memory_space<vmem>> -> memref<1x128x64xf32, #tpu.memory_space<vmem>>
    %dma_wait3A_170 = tpu.memref_squeeze %dma_wait3A_169 : memref<1x128x64xf32, #tpu.memory_space<vmem>> -> memref<128x64xf32, #tpu.memory_space<vmem>>
    %dma_wait3A_171 = arith.constant 0 : i32
    %dma_wait3A_172 = tpu.memref_slice %arg10[%rem3A_167, %dma_wait3A_171] : memref<3x128xi32, #tpu.memory_space<vmem>> -> memref<1x128xi32, #tpu.memory_space<vmem>>
    %dma_wait3A_173 = tpu.memref_squeeze %dma_wait3A_172 : memref<1x128xi32, #tpu.memory_space<vmem>> -> memref<128xi32, #tpu.memory_space<vmem>>
    %dma_wait3A_174 = arith.constant 0 : i32
    %dma_wait3A_175 = arith.constant 0 : i32
    %dma_wait3A_176 = tpu.memref_slice %arg2[%dma_wait3A_174, %dma_wait3A_175] : memref<50000x64xf32, #tpu.memory_space<hbm>> -> memref<50000x64xf32, #tpu.memory_space<hbm>>
    %dma_wait3A_177 = tpu.memref_slice %arg14[%rem3A_167] : memref<3x!tpu.dma_semaphore, #tpu.memory_space<semaphore_mem>> -> memref<1x!tpu.dma_semaphore, #tpu.memory_space<semaphore_mem>>
    %dma_wait3A_178 = tpu.memref_squeeze %dma_wait3A_177 : memref<1x!tpu.dma_semaphore, #tpu.memory_space<semaphore_mem>> -> memref<!tpu.dma_semaphore, #tpu.memory_space<semaphore_mem>>
    tpu.wait_indirect_dma semaphore(%dma_wait3A_178 : memref<!tpu.dma_semaphore, #tpu.memory_space<semaphore_mem>>) src(%dma_wait3A_176 : memref<50000x64xf32, #tpu.memory_space<hbm>>) dst(%dma_wait3A_170 : memref<128x64xf32, #tpu.memory_space<vmem>>)
    %gt3A = arith.constant 1 : i32
    %gt3A_179 = arith.cmpi sgt, %select_n3A_99, %gt3A : i32
    %convert_element_type3A = arith.extui %gt3A_179 : i1 to i32
    %cond3A = arith.constant 0 : i32
    %cond3A_180 = arith.cmpi ne, %convert_element_type3A, %cond3A : i32
    scf.if %cond3A_180 {
      %sub3A_190 = arith.constant 2 : i32
      %sub3A_191 = arith.subi %select_n3A_99, %sub3A_190 : i32
      %rem3A_192 = arith.constant 3 : i32
      %rem3A_193 = arith.remsi %sub3A_191, %rem3A_192 : i32
      %dma_wait3A_194 = arith.constant 0 : i32
      %dma_wait3A_195 = arith.constant 0 : i32
      %dma_wait3A_196 = tpu.memref_slice %arg12[%rem3A_193, %dma_wait3A_194, %dma_wait3A_195] : memref<3x128x64xf32, #tpu.memory_space<vmem>> -> memref<1x128x64xf32, #tpu.memory_space<vmem>>
      %dma_wait3A_197 = tpu.memref_squeeze %dma_wait3A_196 : memref<1x128x64xf32, #tpu.memory_space<vmem>> -> memref<128x64xf32, #tpu.memory_space<vmem>>
      %dma_wait3A_198 = arith.constant 0 : i32
      %dma_wait3A_199 = tpu.memref_slice %arg11[%rem3A_193, %dma_wait3A_198] : memref<3x128xi32, #tpu.memory_space<vmem>> -> memref<1x128xi32, #tpu.memory_space<vmem>>
      %dma_wait3A_200 = tpu.memref_squeeze %dma_wait3A_199 : memref<1x128xi32, #tpu.memory_space<vmem>> -> memref<128xi32, #tpu.memory_space<vmem>>
      %dma_wait3A_201 = arith.constant 0 : i32
      %dma_wait3A_202 = arith.constant 0 : i32
      %dma_wait3A_203 = tpu.memref_slice %arg13[%dma_wait3A_201, %dma_wait3A_202] : memref<25104x64xf32, #tpu.memory_space<vmem_shared>> -> memref<25104x64xf32, #tpu.memory_space<vmem_shared>>
      %dma_wait3A_204 = tpu.memref_slice %arg15[%rem3A_193] : memref<3x!tpu.dma_semaphore, #tpu.memory_space<semaphore_mem>> -> memref<1x!tpu.dma_semaphore, #tpu.memory_space<semaphore_mem>>
      %dma_wait3A_205 = tpu.memref_squeeze %dma_wait3A_204 : memref<1x!tpu.dma_semaphore, #tpu.memory_space<semaphore_mem>> -> memref<!tpu.dma_semaphore, #tpu.memory_space<semaphore_mem>>
      tpu.wait_indirect_dma semaphore(%dma_wait3A_205 : memref<!tpu.dma_semaphore, #tpu.memory_space<semaphore_mem>>) src(%dma_wait3A_197 : memref<128x64xf32, #tpu.memory_space<vmem>>) dst(%dma_wait3A_203 : memref<25104x64xf32, #tpu.memory_space<vmem_shared>>)
    } else {
    }
    %gt3A_181 = arith.constant 0 : i32
    %gt3A_182 = arith.cmpi sgt, %select_n3A_99, %gt3A_181 : i32
    %convert_element_type3A_183 = arith.extui %gt3A_182 : i1 to i32
    %cond3A_184 = arith.constant 0 : i32
    %cond3A_185 = arith.cmpi ne, %convert_element_type3A_183, %cond3A_184 : i32
    scf.if %cond3A_185 {
      %sub3A_190 = arith.constant 1 : i32
      %sub3A_191 = arith.subi %select_n3A_99, %sub3A_190 : i32
      %rem3A_192 = arith.constant 3 : i32
      %rem3A_193 = arith.remsi %sub3A_191, %rem3A_192 : i32
      %dma_wait3A_194 = arith.constant 0 : i32
      %dma_wait3A_195 = arith.constant 0 : i32
      %dma_wait3A_196 = tpu.memref_slice %arg12[%rem3A_193, %dma_wait3A_194, %dma_wait3A_195] : memref<3x128x64xf32, #tpu.memory_space<vmem>> -> memref<1x128x64xf32, #tpu.memory_space<vmem>>
      %dma_wait3A_197 = tpu.memref_squeeze %dma_wait3A_196 : memref<1x128x64xf32, #tpu.memory_space<vmem>> -> memref<128x64xf32, #tpu.memory_space<vmem>>
      %dma_wait3A_198 = arith.constant 0 : i32
      %dma_wait3A_199 = tpu.memref_slice %arg11[%rem3A_193, %dma_wait3A_198] : memref<3x128xi32, #tpu.memory_space<vmem>> -> memref<1x128xi32, #tpu.memory_space<vmem>>
      %dma_wait3A_200 = tpu.memref_squeeze %dma_wait3A_199 : memref<1x128xi32, #tpu.memory_space<vmem>> -> memref<128xi32, #tpu.memory_space<vmem>>
      %dma_wait3A_201 = arith.constant 0 : i32
      %dma_wait3A_202 = arith.constant 0 : i32
      %dma_wait3A_203 = tpu.memref_slice %arg13[%dma_wait3A_201, %dma_wait3A_202] : memref<25104x64xf32, #tpu.memory_space<vmem_shared>> -> memref<25104x64xf32, #tpu.memory_space<vmem_shared>>
      %dma_wait3A_204 = tpu.memref_slice %arg15[%rem3A_193] : memref<3x!tpu.dma_semaphore, #tpu.memory_space<semaphore_mem>> -> memref<1x!tpu.dma_semaphore, #tpu.memory_space<semaphore_mem>>
      %dma_wait3A_205 = tpu.memref_squeeze %dma_wait3A_204 : memref<1x!tpu.dma_semaphore, #tpu.memory_space<semaphore_mem>> -> memref<!tpu.dma_semaphore, #tpu.memory_space<semaphore_mem>>
      tpu.wait_indirect_dma semaphore(%dma_wait3A_205 : memref<!tpu.dma_semaphore, #tpu.memory_space<semaphore_mem>>) src(%dma_wait3A_197 : memref<128x64xf32, #tpu.memory_space<vmem>>) dst(%dma_wait3A_203 : memref<25104x64xf32, #tpu.memory_space<vmem_shared>>)
    } else {
    }
    %barrier3A_186 = arith.constant 0 : index
    tpu.barrier barrier_id(%barrier3A_186)
    %mul3A_187 = arith.constant 25088 : i32
    %mul3A_188 = arith.muli %arg0, %mul3A_187 : i32
    %add3A_189 = arith.addi %mul3A_188, %mul3A_7 : i32
    "tpu.region"() ({
      %run_scoped3A_190 = tpu.sem_alloc : memref<!tpu.dma_semaphore, #tpu.memory_space<semaphore_mem>>
      %dma_start3A_191 = arith.constant 0 : i32
      %dma_start3A_192 = tpu.memref_slice %arg6[%add3A_189, %dma_start3A_191] : memref<50176x64xf32, #tpu.memory_space<hbm>> -> memref<1568x64xf32, #tpu.memory_space<hbm>>
      %dma_start3A_193 = arith.constant 0 : i32
      %dma_start3A_194 = tpu.memref_slice %arg13[%mul3A_7, %dma_start3A_193] : memref<25104x64xf32, #tpu.memory_space<vmem_shared>> -> memref<1568x64xf32, #tpu.memory_space<vmem_shared>>
      tpu.enqueue_dma source(%dma_start3A_194 : memref<1568x64xf32, #tpu.memory_space<vmem_shared>>) target(%dma_start3A_192 : memref<1568x64xf32, #tpu.memory_space<hbm>>) target_semaphore(%run_scoped3A_190 : memref<!tpu.dma_semaphore, #tpu.memory_space<semaphore_mem>>)
      %dma_wait3A_195 = arith.constant 0 : i32
      %dma_wait3A_196 = tpu.memref_slice %arg6[%add3A_189, %dma_wait3A_195] : memref<50176x64xf32, #tpu.memory_space<hbm>> -> memref<1568x64xf32, #tpu.memory_space<hbm>>
      %dma_wait3A_197 = arith.constant 0 : i32
      %dma_wait3A_198 = tpu.memref_slice %arg13[%mul3A_7, %dma_wait3A_197] : memref<25104x64xf32, #tpu.memory_space<vmem_shared>> -> memref<1568x64xf32, #tpu.memory_space<vmem_shared>>
      tpu.wait_dma2 semaphore(%run_scoped3A_190 : memref<!tpu.dma_semaphore, #tpu.memory_space<semaphore_mem>>) src(%dma_wait3A_198 : memref<1568x64xf32, #tpu.memory_space<vmem_shared>>) dst(%dma_wait3A_196 : memref<1568x64xf32, #tpu.memory_space<hbm>>)
      tpu.yield
    }) : () -> ()
    return
  }
}

module attributes {stable_mosaic.version = 14 : i64} {
  func.func @_mlp_norm_body(%arg0: i32, %arg1: memref<3136x256xf32, #tpu.memory_space<vmem>>, %arg2: memref<256x128xf32, #tpu.memory_space<vmem>>, %arg3: memref<1x128xf32, #tpu.memory_space<vmem>>, %arg4: memref<128x64xf32, #tpu.memory_space<vmem>>, %arg5: memref<1x64xf32, #tpu.memory_space<vmem>>, %arg6: memref<3136x64xf32, #tpu.memory_space<vmem>>) attributes {dimension_semantics = [#tpu.dimension_semantics<arbitrary>], iteration_bounds = array<i64: 16>, scalar_prefetch = 0 : i64, scratch_operands = 0 : i64, tpu.core_type = #tpu.core_type<tc>, window_params = [{transform_indices = @transform_0, window_bounds = array<i64: 3136, 256>}, {pipeline_mode = #tpu.pipeline_mode<synchronous>, transform_indices = @transform_1, window_bounds = array<i64: 256, 128>}, {pipeline_mode = #tpu.pipeline_mode<synchronous>, transform_indices = @transform_2, window_bounds = array<i64: 1, 128>}, {pipeline_mode = #tpu.pipeline_mode<synchronous>, transform_indices = @transform_3, window_bounds = array<i64: 128, 64>}, {pipeline_mode = #tpu.pipeline_mode<synchronous>, transform_indices = @transform_4, window_bounds = array<i64: 1, 64>}, {transform_indices = @transform_5, window_bounds = array<i64: 3136, 64>}]} {
    %get3A = arith.constant 0 : index
    %get3A_0 = arith.constant 0 : index
    %get3A_1 = vector.load %arg1[%get3A, %get3A_0] : memref<3136x256xf32, #tpu.memory_space<vmem>>, vector<3136x256xf32>
    %get3A_2 = arith.constant 0 : index
    %get3A_3 = arith.constant 0 : index
    %get3A_4 = vector.load %arg2[%get3A_2, %get3A_3] : memref<256x128xf32, #tpu.memory_space<vmem>>, vector<256x128xf32>
    %dot_general3A = arith.constant dense<0.000000e+00> : vector<3136x128xf32>
    %dot_general3A_5 = tpu.matmul %get3A_1, %get3A_4, %dot_general3A {dimension_numbers = #tpu.dot_dimension_numbers<[1], [0], [0], [1], [0, 0, 1, 1], [], []>, transpose_lhs_hint = false} : vector<3136x256xf32>, vector<256x128xf32>, vector<3136x128xf32> -> vector<3136x128xf32>
    %get3A_6 = arith.constant 0 : index
    %get3A_7 = arith.constant 0 : index
    %get3A_8 = vector.load %arg3[%get3A_6, %get3A_7] : memref<1x128xf32, #tpu.memory_space<vmem>>, vector<1x128xf32>
    %add3A = vector.broadcast %get3A_8 : vector<1x128xf32> to vector<3136x128xf32>
    %add3A_9 = arith.addf %dot_general3A_5, %add3A : vector<3136x128xf32>
    %max3A = arith.constant 0.000000e+00 : f32
    %max3A_10 = vector.broadcast %max3A : f32 to vector<3136x128xf32>
    %max3A_11 = arith.maximumf %add3A_9, %max3A_10 : vector<3136x128xf32>
    %get3A_12 = arith.constant 0 : index
    %get3A_13 = arith.constant 0 : index
    %get3A_14 = vector.load %arg4[%get3A_12, %get3A_13] : memref<128x64xf32, #tpu.memory_space<vmem>>, vector<128x64xf32>
    %dot_general3A_15 = arith.constant dense<0.000000e+00> : vector<3136x64xf32>
    %dot_general3A_16 = tpu.matmul %max3A_11, %get3A_14, %dot_general3A_15 {dimension_numbers = #tpu.dot_dimension_numbers<[1], [0], [0], [1], [0, 0, 1, 1], [], []>, transpose_lhs_hint = false} : vector<3136x128xf32>, vector<128x64xf32>, vector<3136x64xf32> -> vector<3136x64xf32>
    %get3A_17 = arith.constant 0 : index
    %get3A_18 = arith.constant 0 : index
    %get3A_19 = vector.load %arg5[%get3A_17, %get3A_18] : memref<1x64xf32, #tpu.memory_space<vmem>>, vector<1x64xf32>
    %add3A_20 = vector.broadcast %get3A_19 : vector<1x64xf32> to vector<3136x64xf32>
    %add3A_21 = arith.addf %dot_general3A_16, %add3A_20 : vector<3136x64xf32>
    %mul3A = arith.mulf %add3A_21, %add3A_21 : vector<3136x64xf32>
    %reduce_sum3A = arith.constant dense<0.000000e+00> : vector<3136xf32>
    %reduce_sum3A_22 = vector.multi_reduction <add>, %mul3A, %reduce_sum3A [1] : vector<3136x64xf32> to vector<3136xf32>
    %broadcast_in_dim3A = vector.shape_cast %reduce_sum3A_22 : vector<3136xf32> to vector<3136x1xf32>
    %sqrt3A = math.sqrt %broadcast_in_dim3A : vector<3136x1xf32>
    %max3A_23 = arith.constant 9.99999996E-13 : f32
    %max3A_24 = vector.broadcast %max3A_23 : f32 to vector<3136x1xf32>
    %max3A_25 = arith.maximumf %sqrt3A, %max3A_24 : vector<3136x1xf32>
    %div3A = vector.broadcast %max3A_25 : vector<3136x1xf32> to vector<3136x64xf32>
    %div3A_26 = arith.divf %add3A_21, %div3A : vector<3136x64xf32>
    %swap3A = arith.constant 0 : index
    %swap3A_27 = arith.constant 0 : index
    %swap3A_28 = vector.load %arg6[%swap3A, %swap3A_27] : memref<3136x64xf32, #tpu.memory_space<vmem>>, vector<3136x64xf32>
    tpu.vector_store %arg6[%swap3A, %swap3A_27], %div3A_26 {strides = array<i32>} : memref<3136x64xf32, #tpu.memory_space<vmem>>, vector<3136x64xf32>,
    return
  }
  func.func @transform_0(%arg0: i32) -> (i32, i32) {
    %c0_i32 = arith.constant 0 : i32
    %c0_i32_0 = arith.constant 0 : i32
    return %arg0, %c0_i32 : i32, i32
  }
  func.func @transform_1(%arg0: i32) -> (i32, i32) {
    %c0_i32 = arith.constant 0 : i32
    %c0_i32_0 = arith.constant 0 : i32
    %c0_i32_1 = arith.constant 0 : i32
    return %c0_i32, %c0_i32_0 : i32, i32
  }
  func.func @transform_2(%arg0: i32) -> (i32, i32) {
    %c0_i32 = arith.constant 0 : i32
    %c0_i32_0 = arith.constant 0 : i32
    %c0_i32_1 = arith.constant 0 : i32
    return %c0_i32, %c0_i32_0 : i32, i32
  }
  func.func @transform_3(%arg0: i32) -> (i32, i32) {
    %c0_i32 = arith.constant 0 : i32
    %c0_i32_0 = arith.constant 0 : i32
    %c0_i32_1 = arith.constant 0 : i32
    return %c0_i32, %c0_i32_0 : i32, i32
  }
  func.func @transform_4(%arg0: i32) -> (i32, i32) {
    %c0_i32 = arith.constant 0 : i32
    %c0_i32_0 = arith.constant 0 : i32
    %c0_i32_1 = arith.constant 0 : i32
    return %c0_i32, %c0_i32_0 : i32, i32
  }
  func.func @transform_5(%arg0: i32) -> (i32, i32) {
    %c0_i32 = arith.constant 0 : i32
    %c0_i32_0 = arith.constant 0 : i32
    return %arg0, %c0_i32 : i32, i32
  }
}

module attributes {stable_mosaic.version = 14 : i64} {
  func.func @_l2norm_body(%arg0: i32, %arg1: memref<3584x64xf32, #tpu.memory_space<vmem>>, %arg2: memref<3584x64xf32, #tpu.memory_space<vmem>>) attributes {dimension_semantics = [#tpu.dimension_semantics<arbitrary>], iteration_bounds = array<i64: 14>, scalar_prefetch = 0 : i64, scratch_operands = 0 : i64, tpu.core_type = #tpu.core_type<tc>, window_params = [{transform_indices = @transform_0, window_bounds = array<i64: 3584, 64>}, {transform_indices = @transform_1, window_bounds = array<i64: 3584, 64>}]} {
    %get3A = arith.constant 0 : index
    %get3A_0 = arith.constant 0 : index
    %get3A_1 = vector.load %arg1[%get3A, %get3A_0] : memref<3584x64xf32, #tpu.memory_space<vmem>>, vector<3584x64xf32>
    %mul3A = arith.mulf %get3A_1, %get3A_1 : vector<3584x64xf32>
    %reduce_sum3A = arith.constant dense<0.000000e+00> : vector<3584xf32>
    %reduce_sum3A_2 = vector.multi_reduction <add>, %mul3A, %reduce_sum3A [1] : vector<3584x64xf32> to vector<3584xf32>
    %broadcast_in_dim3A = vector.shape_cast %reduce_sum3A_2 : vector<3584xf32> to vector<3584x1xf32>
    %sqrt3A = math.sqrt %broadcast_in_dim3A : vector<3584x1xf32>
    %max3A = arith.constant 9.99999996E-13 : f32
    %max3A_3 = vector.broadcast %max3A : f32 to vector<3584x1xf32>
    %max3A_4 = arith.maximumf %sqrt3A, %max3A_3 : vector<3584x1xf32>
    %div3A = vector.broadcast %max3A_4 : vector<3584x1xf32> to vector<3584x64xf32>
    %div3A_5 = arith.divf %get3A_1, %div3A : vector<3584x64xf32>
    %swap3A = arith.constant 0 : index
    %swap3A_6 = arith.constant 0 : index
    %swap3A_7 = vector.load %arg2[%swap3A, %swap3A_6] : memref<3584x64xf32, #tpu.memory_space<vmem>>, vector<3584x64xf32>
    tpu.vector_store %arg2[%swap3A, %swap3A_6], %div3A_5 {strides = array<i32>} : memref<3584x64xf32, #tpu.memory_space<vmem>>, vector<3584x64xf32>,
    return
  }
  func.func @transform_0(%arg0: i32) -> (i32, i32) {
    %c0_i32 = arith.constant 0 : i32
    %c0_i32_0 = arith.constant 0 : i32
    return %arg0, %c0_i32 : i32, i32
  }
  func.func @transform_1(%arg0: i32) -> (i32, i32) {
    %c0_i32 = arith.constant 0 : i32
    %c0_i32_0 = arith.constant 0 : i32
    return %arg0, %c0_i32 : i32, i32
  }
}

</mosaic_0001>

<sc_bundles>
// kernel: kernel.5.cloned.1.call-start
scs
__scs_entry_jumppad:
0x0: {  	(pc) =	sbr.rel $0x88, $3  }
0x1: {  	(tag) =	ssettag $0x0;
	lr =	simm.s32 $0x1  }
0x2: {  	[smem:$0x3F9A] =	sst lr;
	_ =	strace $0xD0000000  }
0x3: {  	_ = 	snop  }
0x4: {  	_ = 	snop  }
0x5: {  	_ = 	snop  }
0x6: {  	_ = 	snop  }
0x7: {  	_ = 	snop  }
__scs_overlays_trampoline_lowered:
0x8: {  	[smem:$0x3FA9] =	sst s0  }
0x9: {  	[smem:$0x3FAA] =	sst s1  }
0xa: {  	[smem:$0x3FAB] =	sst s2  }
0xb: {  	[smem:$0x3FAC] =	sst s3  }
0xc: {  	[smem:$0x3FAD] =	sst s4  }
0xd: {  	[smem:$0x3FAE] =	sst s5  }
0xe: {  	[smem:$0x3FAF] =	sst s6  }
0xf: {  	[smem:$0x3FB0] =	sst s7  }
0x10: {  	[smem:$0x3FB1] =	sst s8  }
0x11: {  	[smem:$0x3FB2] =	sst s9;
	s0 =	simm.s32 @!p0 $0x0  }
0x12: {  	s1 =	sld [smem:$0x3F98];
	s0 =	simm.s32 @p0 $0x1  }
0x13: {  	[smem:$0x3FB3] =	sst s0;
	s0 =	simm.s32 @!p1 $0x0  }
0x14: {  	s2 =	sld [smem:$0x3F97];
	s0 =	simm.s32 @p1 $0x1  }
0x15: {  	[smem:$0x3FB4] =	sst s0;
	s0 =	simm.s32 @!p2 $0x0  }
0x16: {  	s3 =	sld [smem:$0x3FDB];
	s0 =	simm.s32 @p2 $0x1  }
0x17: {  	s4 =	simm.s32 $0x1BF5;
	[smem:$0x3FB6] =	sst s0  }
0x18: {  	s0 =	sld [smem:$0x3F99];
	_ =	swait.ge [sflag:s4], $0x0  }
0x19: {  	s7 =	sld [smem:$0x3F9A]  }
0x1a: {  	s8 =	sadd.s32 $0xFFFFE003, lr  }
0x1b: {  	s9 =	sadd.s32 $0xFFFFFEF7, lr;
	s5 =	simm.s32 $0xFFFFFFFF;
	p2 =	slt.u32 s8, $0xFFFFF086  }
0x1c: {  	p1 =	slt.u32 s9, $0xF7A;
	s5 =	simm.s32 @!p2 $0x0  }
0x1d: {  	s5 =	simm.s32 @p1 $0x1;
	p0 =	seq.s32 s7, s2  }
0x1e: {  	s7 =	smul.u32 @!p0 $0xF7A, s2;
	p2 =	seq.s32 @!p0 s5, $0x0  }
0x1f: {  	s9 =	smul.u32 $0xF7A, s1;
	s8 =	simm.s32 @!p0 $0x1BF5;
	p2 =	por !p2, p0  }
0x20: {  	[sflag:s8] =	ssyncset.s32 @!p0 $0xFFFFF086;
	s6 =	sadd.s32 @!p0 s3, s7;
	s7 =	simm.s32 @!p0 $0x108  }
0x21: {  	s3 =	sadd.s32 s3, s9;
	s6 =	sadd.s32 @!p0 $0x88, s6;
	s7 =	simm.s32 @p2 $0x1082  }
0x22: {  	[simem:s7], [sflag:s8] =	dma.local @!p0 [hbm:s6], $0xF7A  }
0x23: {  	s9 =	sor.u32 $0xD0000000, s2;
	s6 =	simm.s32 $0x108;
	_ =	swait.ge @!p0 [sflag:s8], $0x0  }
0x24: {  	s3 =	sadd.s32 $0x88, s3;
	s6 =	simm.s32 @!p1 $0x1082;
	[sflag:s4] =	ssyncset.s32 $0xFFFFF086  }
0x25: {  	[simem:s6], [sflag:s4] =	dma.local [hbm:s3], $0xF7A  }
0x26: {  	[smem:$0x3F9A] =	sst s1;
	(tag) =	ssettag s2;
	_ =	strace s9  }
0x27: {  	s1 =	sld [smem:$0x3FAA]  }
0x28: {  	s2 =	sld [smem:$0x3FAB]  }
0x29: {  	s4 =	sld [smem:$0x3FAD]  }
0x2a: {  	p0 =	seq.s32 s5, $0x0;
	s5 =	sld [smem:$0x3FAE]  }
0x2b: {  	s6 =	sld [smem:$0x3FAF]  }
0x2c: {  	s7 =	sld [smem:$0x3FB0]  }
0x2d: {  	s3 =	simm.s32 $0x108;
	s8 =	sld [smem:$0x3FB1]  }
0x2e: {  	s3 =	simm.s32 @!p0 $0x1082;
	s9 =	sld [smem:$0x3FB2]  }
0x2f: {  	lr =	sadd.s32 s0, s3;
	s0 =	sld [smem:$0x3FA9]  }
0x30: {  	s3 =	sld [smem:$0x3FAC]  }
0x31: {  	[smem:$0x3FB5] =	sst s10  }
0x32: {  	s10 =	sld [smem:$0x3FB3];
	_ =	sdelay $0x3  }
0x33: {  	p0 =	seq.s32 s10, $0x1;
	s10 =	sld [smem:$0x3FB5];
	_ =	sdelay $0x3  }
0x34: {  	[smem:$0x3FB5] =	sst s10  }
0x35: {  	s10 =	sld [smem:$0x3FB4];
	_ =	sdelay $0x3  }
0x36: {  	p1 =	seq.s32 s10, $0x1;
	s10 =	sld [smem:$0x3FB5];
	_ =	sdelay $0x3  }
0x37: {  	[smem:$0x3FB5] =	sst s10  }
0x38: {  	s10 =	sld [smem:$0x3FB6]  }
0x39: {  	_ = 	snop;
	(pc) =	sbr.ind lr, $3  }
0x3a: {  	_ = 	snop  }
0x3b: {  	_ = 	snop  }
0x3c: {  	p2 =	seq.s32 s10, $0x1;
	s10 =	sld [smem:$0x3FB5]  }
0x3d: {  	_ =	shalt  }
0x3e: {  	_ =	shalt  }
0x3f: {  	_ =	shalt  }
0x40: {  	_ =	shalt  }
0x41: {  	_ =	shalt  }
0x42: {  	_ =	shalt  }
0x43: {  	_ =	shalt  }
0x44: {  	_ =	shalt  }
0x45: {  	_ =	shalt  }
0x46: {  	_ =	shalt  }
0x47: {  	_ =	shalt  }
0x48: {  	_ =	shalt  }
0x49: {  	_ =	shalt  }
0x4a: {  	_ =	shalt  }
0x4b: {  	_ =	shalt  }
0x4c: {  	_ =	shalt  }
0x4d: {  	_ =	shalt  }
0x4e: {  	_ =	shalt  }
0x4f: {  	_ =	shalt  }
0x50: {  	_ =	shalt  }
0x51: {  	_ =	shalt  }
0x52: {  	_ =	shalt  }
0x53: {  	_ =	shalt  }
0x54: {  	_ =	shalt  }
0x55: {  	_ =	shalt  }
0x56: {  	_ =	shalt  }
0x57: {  	_ =	shalt  }
0x58: {  	_ =	shalt  }
0x59: {  	_ =	shalt  }
0x5a: {  	_ =	shalt  }
0x5b: {  	_ =	shalt  }
0x5c: {  	_ =	shalt  }
0x5d: {  	_ =	shalt  }
0x5e: {  	_ =	shalt  }
0x5f: {  	_ =	shalt  }
0x60: {  	_ =	shalt  }
0x61: {  	_ =	shalt  }
0x62: {  	_ =	shalt  }
0x63: {  	_ =	shalt  }
0x64: {  	_ =	shalt  }
0x65: {  	_ =	shalt  }
0x66: {  	_ =	shalt  }
0x67: {  	_ =	shalt  }
0x68: {  	_ =	shalt  }
0x69: {  	_ =	shalt  }
0x6a: {  	_ =	shalt  }
0x6b: {  	_ =	shalt  }
0x6c: {  	_ =	shalt  }
0x6d: {  	_ =	shalt  }
0x6e: {  	_ =	shalt  }
0x6f: {  	_ =	shalt  }
0x70: {  	_ =	shalt  }
0x71: {  	_ =	shalt  }
0x72: {  	_ =	shalt  }
0x73: {  	_ =	shalt  }
0x74: {  	_ =	shalt  }
0x75: {  	_ =	shalt  }
0x76: {  	_ =	shalt  }
0x77: {  	_ =	shalt  }
0x78: {  	_ =	shalt  }
0x79: {  	_ =	shalt  }
0x7a: {  	_ =	shalt  }
0x7b: {  	_ =	shalt  }
0x7c: {  	_ =	shalt  }
0x7d: {  	_ =	shalt  }
0x7e: {  	_ =	shalt  }
0x7f: {  	_ =	shalt  }
0x80: {  	_ =	shalt  }
0x81: {  	_ =	shalt  }
0x82: {  	_ =	shalt  }
0x83: {  	_ =	shalt  }
0x84: {  	_ =	shalt  }
0x85: {  	_ =	shalt  }
0x86: {  	_ =	shalt  }
0x87: {  	_ =	shalt  }
.Lfunc_end0:
.L_simem_size_0:
called_computation_lowered:
.L_overlay_start_0:
0x88: {  	s2 =	sld [smem:$0x3FD9]  }
0x89: {  	s3 =	sld [smem:$0x3FFE];
	_ =	sdelay $0x1  }
0x8a: {  	s1 =	srdreg.scid  }
0x8b: {  	s0 =	sand.u32 $0x1, s1  }
0x8c: {  	s14 =	sshll.u32 s0, $0xA;
	s2 =	sadd.s32 s3, s2  }
0x8d: {  	s2 =	sadd.s32 s2, s14  }
0x8e: {  	[smem:$0x3FC1] =	sst s2  }
0x8f: {  	_ = 	snop  }
0x90: {  	s2 =	sld [smem:$0x3FD0];
	_ =	sdelay $0x2  }
0x91: {  	s15 =	simm.s32 $0xA;
	s4 =	simm.s32 $0x10  }
0x92: {  	[smem:s4], [sflag:s15] =	dma.local [hbm:s2], $0x1  }
0x93: {  	_ =	swait.eq [sflag:s15], $0x1  }
0x94: {  	[sflag:s15] =	ssyncset.done $0x0  }
0x95: {  	[sflag:s15] =	ssyncadd.s32 $0xFFFFFFFF  }
0x96: {  	s16 =	sld [smem:$0x10];
	(tm) =	ssettm $0x1  }
0x97: {  	s17 =	sld [smem:$0x3FFB];
	_ =	sdelay $0x3  }
0x98: {  	_ =	strace s17  }
0x99: {  	s3 =	sld [smem:$0x3FFC];
	_ =	sdelay $0x3  }
0x9a: {  	_ =	strace s3  }
0x9b: {  	s3 =	sld [smem:$0x3FFD];
	_ =	sdelay $0x3  }
0x9c: {  	_ =	strace s3  }
0x9d: {  	_ =	strace $0x8FFFFFFF  }
0x9e: {  	s18 =	sld [smem:$0x3FDB];
	_ =	sdelay $0x1  }
0x9f: {  	s19 =	simm.s32 $_scs_section_size  }
0xa0: {  	s5 =	simm.s32 $_size__tile_overlayer_lowered;
	s6 =	simm.s32 $_tile_overlayer_lowered  }
0xa1: {  	s22 =	simm.s32 $0x1BFF;
	s21 =	sshll.u32 s6, $0x1;
	s3 =	sadd.s32 s19, s18  }
0xa2: {  	s7 =	simm.s32 $0x0;
	s20 =	sshll.u32 s5, $0x1;
	s5 =	sadd.s32 s21, s3  }
0xa3: {  	[timem:s7], [sflag:s22] =	dma.local [hbm:s5], s20  }
0xa4: {  	_ =	swait.ge [sflag:s22], s20  }
0xa5: {  	s4 =	ssub.s32 $0x0, s20;
	[sflag:s22] =	ssyncset.done $0x0  }
0xa6: {  	[sflag:s22] =	ssyncadd.s32 s4;
	_ =	sdelay $0x1  }
0xa7: {  	s23 =	simm.s32 $0x1B8B  }
0xa8: {  	_ =	swait.ge [sflag:s23], $0x1  }
0xa9: {  	[sflag:s23] =	ssyncset.done $0x0  }
0xaa: {  	s25 =	simm.s32 $0x1B8E;
	s24 =	sld [smem:$0x3FFE];
	[sflag:s23] =	ssyncadd.s32 $0xFFFFFFFF  }
0xab: {  	s26 =	simm.s32 $execute0_lowered;
	[smem:$0x3FD2] =	sst s25  }
0xac: {  	s5 =	sshll.u32 s26, $0x1;
	_ =	strace $0x80000046;
	[dreg:$0x1] =	wrdreg $0xFFFFFFFF  }
0xad: {  	s28 =	simm.s32 $_size_execute0_lowered;
	s3 =	sadd.s32 s3, s5;
	[dreg:$0x0] =	wrdreg $0x0  }
0xae: {  	s5 =	sshll.u32 s28, $0x1;
	[dreg:$0x2] =	wrdreg s3  }
0xaf: {  	[dreg:$0x3] =	wrdreg s5  }
0xb0: {  	[dreg:$0x4] =	wrdreg $0xC0  }
0xb1: {  	_ =	task [dreg:s7], $0x5FFFF  }
0xb2: {  	[dreg:$0x1] =	wrdreg $0xFFFFFFFF  }
0xb3: {  	[dreg:$0x0] =	wrdreg $0x60  }
0xb4: {  	[dreg:$0x2] =	wrdreg s16  }
0xb5: {  	[dreg:$0x3] =	wrdreg s24  }
0xb6: {  	[dreg:$0x4] =	wrdreg $0x6B500  }
0xb7: {  	[dreg:$0x5] =	wrdreg $0x9  }
0xb8: {  	_ =	task.clear_ibuf [dreg:s7], $0x6FFFF;
	_ =	strace $0x90000046  }
0xb9: {  	s29 =	simm.s32 $0x9;
	_ =	strace $0x80000048  }
0xba: {  	_ =	swait.ge [sflag:s29], $0x1  }
0xbb: {  	[sflag:s29] =	ssyncadd.s32 $0xFFFFFFFF  }
0xbc: {  	_ =	strace $0x90000048  }
0xbd: {  	_ =	sfence  }
0xbe: {  	s30 =	sld [smem:$0x0];
	_ =	sdelay $0x2  }
0xbf: {  	s31 =	sshll.u32 s1, $0xD;
	s1 =	sshrl.u32 s1, $0x2  }
0xc0: {  	s3 =	sand.u32 $0x4000, s31;
	s1 =	sadd.s32 s1, s30  }
0xc1: {  	s0 =	sor.u32 s3, s0;
	s1 =	sshll.u32 s1, $0x11  }
0xc2: {  	s0 =	sor.u32 s1, s0  }
0xc3: {  	s0 =	sadd.s32 $0x8F2B, s0  }
0xc4: {  	[sflag:s0] =	ssyncadd.remote.s32 $0x1  }
0xc5: {  	_ =	sfence.sel $0xFFFF  }
0xc6: {  	[dreg:$0x0] =	wrdreg $0xFFFFFFFF;
	(pc) =	sbr.abs _section_cstart, $3  }
0xc7: {  	[dreg:$0x1] =	wrdreg $0xFFFFFFFF  }
0xc8: {  	_ =	task.clear_ibuf [dreg:s7], $0x2FFFF;
	_ =	strace $0x9FFFFFFF  }
0xc9: {  	(tm) =	ssettm $0x7FFFFFFF  }
tec
execute0_lowered:
.L_overlay_start_1:
0x0: {  	(tag) =	ssettag $0x1  }
0x1: {  	s1 =	rddreg [dreg:$0x0];
	s11 =	stileid.u32  }
0x2: {  	s0 =	rddreg [dreg:$0x1];
	s16 =	smul.u32 $0x62000, s11  }
0x3: {  	s3 =	rddreg [dreg:$0x2];
	s2 =	srdreg.scid;
	s4 =	simm.s32 $0x0  }
0x4: {  	[smem:$0x7FF] =	sst s4;
	s9 =	sadd.s32 $0xF7200, s0;
	s10 =	sshrl.u32 s16, $0x2  }
0x5: {  	_ =	strace $0x80000047;
	[dreg:$0x4] =	wrdreg s9;
	s9 =	sadd.s32 s10, s3  }
0x6: {  	s30 =	simm.s32 $0x80;
	s2 =	sand.u32 $0x1, s2;
	s19 =	sadd.s32 $0x2000, s9  }
0x7: {  	s7 =	smul.u32 $0x3100, s11;
	s20 =	sadd.s32 $0x4000, s9;
	[dreg:$0x5] =	wrdreg s19  }
0x8: {  	s5 =	sadd.s32 $0x1B400, s0;
	s21 =	sadd.s32 $0x6000, s9;
	[dreg:$0x6] =	wrdreg s20  }
0x9: {  	s6 =	sadd.s32 $0x2C00, s0;
	s22 =	sadd.s32 $0x8000, s9;
	[dreg:$0x7] =	wrdreg s21  }
0xa: {  	s8 =	smul.u32 $0x31000, s2;
	s23 =	sadd.s32 $0xA000, s9;
	[dreg:$0x8] =	wrdreg s22  }
0xb: {  	s17 =	ssub.s32 $0x2, s2;
	s24 =	sadd.s32 $0xC000, s9;
	[dreg:$0x9] =	wrdreg s23  }
0xc: {  	s2 =	sshll.u32 s2, $0x4;
	s25 =	sadd.s32 $0xE000, s9;
	[dreg:$0xa] =	wrdreg s24  }
0xd: {  	s18 =	sshrl.u32 s17, $0x1;
	s26 =	sadd.s32 $0x10000, s9;
	[dreg:$0xb] =	wrdreg s25  }
0xe: {  	s7 =	sadd.s32 s7, s8;
	s28 =	sadd.s32 $0x12000, s9;
	[dreg:$0xc] =	wrdreg s26  }
.Ltmp0:
0xf: {  	s29 =	sadd.s32 $0x14000, s9;
	[dreg:$0xd] =	wrdreg s28;
	(pc) =	sbr.rel .LBB2_1-.Ltmp0, $4  }
0x10: {  	s8 =	sor.u32 s11, s2;
	s31 =	sadd.s32 $0x16000, s9;
	[dreg:$0xe] =	wrdreg s29  }
0x11: {  	s0 =	sadd.s32 s7, s0;
	s7 =	ssub.s32 s17, s18;
	[dreg:$0xf] =	wrdreg s31  }
0x12: {  	s21 =	sadd.s32 $0x18000, s9;
	s22 =	sor.u32 $0x20, s8;
	s23 =	sadd.s32 $0xF7400, s0  }
0x13: {  	v0 =	vimm.f32 $0.0e+00;
	v1 =	vlaneseq.u32;
	s24 =	smax.u32 s7, $0x1;
	s25 =	simm.s32 $0xB50;
	s26 =	simm.s32 $0x7  }
.LBB2_11:
0x14: {  	s0 =	sadd.s32 $0xFFFFFFFE, s28  }
0x15: {  	s2 =	smulhi.u32 $0xAAAAAAAB, s0;
	_ =	sdelay $0x1  }
0x16: {  	s2 =	sshrl.u32 s2, $0x1  }
0x17: {  	s2 =	smul.u32 $0x3, s2;
	_ =	sdelay $0x1  }
0x18: {  	s0 =	ssub.s32 s0, s2  }
0x19: {  	s0 =	sor.u32 $0x4, s0  }
0x1a: {  	_ =	swait.ge [sflag:s0], $0x2000  }
0x1b: {  	[sflag:s0] =	ssyncset.done $0x0  }
0x1c: {  	[sflag:s0] =	ssyncadd.s32 $0xFFFFE000  }
.LBB2_13:
0x1d: {  	s0 =	sadd.s32 $0xFFFFFFFF, s28  }
0x1e: {  	s2 =	smulhi.u32 $0xAAAAAAAB, s0;
	_ =	sdelay $0x1  }
0x1f: {  	s2 =	sshrl.u32 s2, $0x1  }
0x20: {  	s2 =	smul.u32 $0x3, s2;
	_ =	sdelay $0x1  }
0x21: {  	s0 =	ssub.s32 s0, s2  }
0x22: {  	s0 =	sor.u32 $0x4, s0  }
0x23: {  	_ =	swait.ge [sflag:s0], $0x2000  }
0x24: {  	[sflag:s0] =	ssyncset.done $0x0  }
0x25: {  	[sflag:s0] =	ssyncadd.s32 $0xFFFFE000  }
.LBB2_14:
0x26: {  	s0 =	stileid.u32;
	s4 =	sadd.s32 $0x1, s4  }
0x27: {  	[bflag:$0x0] =	sbarrier.arrive $0xFFFF;
	s0 =	sshll.u32 s0, $0x6;
	p0 =	sne.s32 s4, s24  }
.Ltmp1:
0x28: {  	s2 =	sshrl.u32 s9, $0x3;
	s0 =	sor.u32 $0x1C07, s0;
	(pc) =	sbr.rel @!p0 .LBB2_15-.Ltmp1, $4  }
0x29: {  	[hbm:s23], [sflag:s0] =	dma.local [spmem:s2], $0x3100  }
0x2a: {  	_ =	swait.ge [sflag:s26], $0x3100  }
0x2b: {  	[sflag:s26] =	ssyncset.done $0x0  }
0x2c: {  	[sflag:s26] =	ssyncadd.s32 $0xFFFFCF00  }
.LBB2_1:
0x2d: {  	s2 =	simm.s32 $0x100;
	s0 =	simm.s32 $0x0  }
.LBB2_2:
0x2e: {  	p0 =	sne.s32 s2, $0x7F00;
	[tilespmem:s0+$0xB80] =	vst v0;
	s7 =	smov.u32 s2;
	s2 =	sadd.s32 $0x100, s2  }
.Ltmp2:
0x2f: {  	[tilespmem:s0+$0xB70] =	vst v0;
	(pc) =	sbr.rel @p0 .LBB2_2-.Ltmp2, $3  }
0x30: {  	[tilespmem:s0+$0xB50] =	vst v0  }
0x31: {  	[tilespmem:s0+$0xB60] =	vst v0;
	_ =	sdelay $0x1  }
0x32: {  	s0 =	sshra.s32 s7, $0x2  }
0x33: {  	[tilespmem:s0+$0xB80] =	vst v0  }
0x34: {  	[tilespmem:s0+$0xB70] =	vst v0  }
0x35: {  	[tilespmem:s0+$0xB50] =	vst v0  }
0x36: {  	[tilespmem:s0+$0xB60] =	vst v0  }
0x37: {  	[spmem:s9] =	stream.linear.scatter [tilespmem:s25], [sflag:$0x7], $0x2000, $0x38;
	[tilespmem:$0x1F390] =	vst v63  }
0x38: {  	_ =	swait.ge [sflag:s26], $0x2000  }
0x39: {  	[sflag:s26] =	ssyncset.done $0x0  }
0x3a: {  	s2 =	rddreg [dreg:$0x5];
	[sflag:s26] =	ssyncadd.s32 $0xFFFFE000  }
0x3b: {  	[spmem:s2] =	stream.linear.scatter [tilespmem:s25], [sflag:$0x7], $0x2000, $0x38;
	[tilespmem:$0x1F390] =	vst v63  }
0x3c: {  	_ =	swait.ge [sflag:s26], $0x2000  }
0x3d: {  	[sflag:s26] =	ssyncset.done $0x0  }
0x3e: {  	s7 =	rddreg [dreg:$0x6];
	[sflag:s26] =	ssyncadd.s32 $0xFFFFE000  }
0x3f: {  	[spmem:s7] =	stream.linear.scatter [tilespmem:s25], [sflag:$0x7], $0x2000, $0x38;
	[tilespmem:$0x1F390] =	vst v63  }
0x40: {  	_ =	swait.ge [sflag:s26], $0x2000  }
0x41: {  	[sflag:s26] =	ssyncset.done $0x0  }
0x42: {  	s10 =	rddreg [dreg:$0x7];
	[sflag:s26] =	ssyncadd.s32 $0xFFFFE000  }
0x43: {  	[spmem:s10] =	stream.linear.scatter [tilespmem:s25], [sflag:$0x7], $0x2000, $0x38;
	[tilespmem:$0x1F390] =	vst v63  }
0x44: {  	_ =	swait.ge [sflag:s26], $0x2000  }
0x45: {  	[sflag:s26] =	ssyncset.done $0x0  }
0x46: {  	s11 =	rddreg [dreg:$0x8];
	[sflag:s26] =	ssyncadd.s32 $0xFFFFE000  }
0x47: {  	[spmem:s11] =	stream.linear.scatter [tilespmem:s25], [sflag:$0x7], $0x2000, $0x38;
	[tilespmem:$0x1F390] =	vst v63  }
0x48: {  	_ =	swait.ge [sflag:s26], $0x2000  }
0x49: {  	[sflag:s26] =	ssyncset.done $0x0  }
0x4a: {  	s12 =	rddreg [dreg:$0x9];
	[sflag:s26] =	ssyncadd.s32 $0xFFFFE000  }
0x4b: {  	[spmem:s12] =	stream.linear.scatter [tilespmem:s25], [sflag:$0x7], $0x2000, $0x38;
	[tilespmem:$0x1F390] =	vst v63  }
0x4c: {  	_ =	swait.ge [sflag:s26], $0x2000  }
0x4d: {  	[sflag:s26] =	ssyncset.done $0x0  }
0x4e: {  	s13 =	rddreg [dreg:$0xa];
	[sflag:s26] =	ssyncadd.s32 $0xFFFFE000  }
0x4f: {  	[spmem:s13] =	stream.linear.scatter [tilespmem:s25], [sflag:$0x7], $0x2000, $0x38;
	[tilespmem:$0x1F390] =	vst v63  }
0x50: {  	_ =	swait.ge [sflag:s26], $0x2000  }
0x51: {  	[sflag:s26] =	ssyncset.done $0x0  }
0x52: {  	s14 =	rddreg [dreg:$0xb];
	[sflag:s26] =	ssyncadd.s32 $0xFFFFE000  }
0x53: {  	[spmem:s14] =	stream.linear.scatter [tilespmem:s25], [sflag:$0x7], $0x2000, $0x38;
	[tilespmem:$0x1F390] =	vst v63  }
0x54: {  	_ =	swait.ge [sflag:s26], $0x2000  }
0x55: {  	[sflag:s26] =	ssyncset.done $0x0  }
0x56: {  	s15 =	rddreg [dreg:$0xc];
	[sflag:s26] =	ssyncadd.s32 $0xFFFFE000  }
0x57: {  	[spmem:s15] =	stream.linear.scatter [tilespmem:s25], [sflag:$0x7], $0x2000, $0x38;
	[tilespmem:$0x1F390] =	vst v63  }
0x58: {  	_ =	swait.ge [sflag:s26], $0x2000  }
0x59: {  	[sflag:s26] =	ssyncset.done $0x0  }
0x5a: {  	s16 =	rddreg [dreg:$0xd];
	[sflag:s26] =	ssyncadd.s32 $0xFFFFE000  }
0x5b: {  	[spmem:s16] =	stream.linear.scatter [tilespmem:s25], [sflag:$0x7], $0x2000, $0x38;
	[tilespmem:$0x1F390] =	vst v63  }
0x5c: {  	_ =	swait.ge [sflag:s26], $0x2000  }
0x5d: {  	[sflag:s26] =	ssyncset.done $0x0  }
0x5e: {  	s17 =	rddreg [dreg:$0xe];
	[sflag:s26] =	ssyncadd.s32 $0xFFFFE000  }
0x5f: {  	[spmem:s17] =	stream.linear.scatter [tilespmem:s25], [sflag:$0x7], $0x2000, $0x38;
	[tilespmem:$0x1F390] =	vst v63  }
0x60: {  	_ =	swait.ge [sflag:s26], $0x2000  }
0x61: {  	[sflag:s26] =	ssyncset.done $0x0  }
0x62: {  	s18 =	rddreg [dreg:$0xf];
	[sflag:s26] =	ssyncadd.s32 $0xFFFFE000  }
0x63: {  	[spmem:s18] =	stream.linear.scatter [tilespmem:s25], [sflag:$0x7], $0x2000, $0x38;
	[tilespmem:$0x1F390] =	vst v63  }
0x64: {  	_ =	swait.ge [sflag:s26], $0x2000  }
0x65: {  	[sflag:s26] =	ssyncset.done $0x0  }
0x66: {  	[sflag:s26] =	ssyncadd.s32 $0xFFFFE000  }
0x67: {  	[spmem:s21] =	stream.linear.scatter [tilespmem:s25], [sflag:$0x7], $0x800, $0x38;
	[tilespmem:$0x1F390] =	vst v63  }
0x68: {  	_ =	swait.ge [sflag:s26], $0x800  }
0x69: {  	[sflag:s26] =	ssyncset.done $0x0  }
0x6a: {  	[sflag:s26] =	ssyncadd.s32 $0xFFFFF800  }
0x6b: {  	[bflag:$0x0] =	sbarrier.arrive $0xFFFF  }
0x6c: {  	s19 =	simm.s32 $0x0;
	s2 =	rddreg [dreg:$0x4]  }
0x6d: {  	[tilespmem:s19], [sflag:$0x7] =	stream.linear.gather [hbm4b:s2+s19], $0x50, $0x38;
	[tilespmem:$0x1F390] =	vst v63  }
0x6e: {  	_ =	swait.ge [sflag:s26], $0x50  }
0x6f: {  	[sflag:s26] =	ssyncset.done $0x0  }
0x70: {  	[sflag:s26] =	ssyncadd.s32 $0xFFFFFFB0  }
0x71: {  	v2 =	vld [tilespmem:s8+$0x0];
	_ =	sdelay $0x4  }
0x72: {  	(v2sf) =	vpush v2, $0x0;
	_ =	sdelay $0xe  }
0x73: {  	s20 =	spop (v2sf)  }
0x74: {  	s7 =	sand.u32 $0x7, s20  }
0x75: {  	s10 =	sshra.s32 s20, $0x1F;
	p0 =	slt.s32 s20, $0x1;
	p1 =	sne.s32 s7, $0x0  }
0x76: {  	s28 =	sshrl.u32 s10, $0x1D;
	p0 =	por !p0, !p1  }
0x77: {  	s7 =	simm.s32 $0x1;
	s2 =	sadd.s32 s28, s20;
	p0 =	por !p0, !p0  }
0x78: {  	s2 =	sshra.s32 s2, $0x3;
	s7 =	simm.s32 @!p0 $0x0  }
0x79: {  	s2 =	ssub.s32 s2, s7  }
0x7a: {  	s7 =	sand.u32 $0x1FFFFFFF, s2  }
0x7b: {  	s11 =	simm.s32 $0x50;
	s29 =	sadd.s32 s5, s7  }
0x7c: {  	v4 =	vld [tilespmem:s22+$0x0];
	[tilespmem:s11], [sflag:$0x7] =	stream.linear.gather [hbm4b:s29+s19], $0x400, $0x38  }
0x7d: {  	_ =	swait.ge [sflag:s26], $0x400  }
0x7e: {  	[sflag:s26] =	ssyncset.done $0x0  }
0x7f: {  	s31 =	simm.s32 $0x450;
	s7 =	sadd.s32 s6, s7;
	[sflag:s26] =	ssyncadd.s32 $0xFFFFFC00  }
0x80: {  	[tilespmem:s31], [sflag:$0x7] =	stream.linear.gather [hbm4b:s7+s19], $0x400, $0x38;
	[tilespmem:$0x1F390] =	vst v63  }
0x81: {  	_ =	swait.ge [sflag:s26], $0x400  }
0x82: {  	[sflag:s26] =	ssyncset.done $0x0  }
0x83: {  	v2 =	vbroadcast v2, $0x0;
	v3 =	vbroadcast v4, $0x0;
	s0 =	sshll.u32 s2, $0x3;
	s2 =	simm.s32 $0x0;
	[sflag:s26] =	ssyncadd.s32 $0xFFFFFC00  }
0x84: {  	v6 =	vadd.s32 s0, v1;
	v5 =	vld [tilespmem:s2+$0x450]  }
0x85: {  	vm0 =	vge.s32 v6, v2;
	vm1 =	vlt.s32 v6, v3;
	v6 =	vld [tilespmem:s2+$0x50];
	_ =	sdelay $0x2  }
0x86: {  	s10 =	smov.u32 s0;
	vm0 =	vmand vm0, vm1;
	s7 =	simm.s32 $0x40  }
.LBB2_4:
0x87: {  	s11 =	sshra.s32 s7, $0x2;
	p0 =	sne.s32 s7, $0x1C0;
	s7 =	sadd.s32 $0x40, s7;
	v7 =	vnsel vm0, $0x6200, v5  }
.Ltmp3:
0x88: {  	v5 =	vld [tilespmem:s11+$0x450];
	v8 =	vnsel vm0, $0x0, v6;
	[tilespmem:s2+$0x9D0] =	vst v7;
	(pc) =	sbr.rel @p0 .LBB2_4-.Ltmp3, $4  }
0x89: {  	s10 =	sadd.s32 $0x10, s10;
	v6 =	vld [tilespmem:s11+$0x50];
	[tilespmem:s2+$0x850] =	vst v8;
	s2 =	smov.u32 s11  }
0x8a: {  	v7 =	vadd.s32 s10, v1  }
0x8b: {  	vm0 =	vge.s32 v7, v2;
	vm1 =	vlt.s32 v7, v3  }
0x8c: {  	vm0 =	vmand vm0, vm1  }
0x8d: {  	(v2sf) =	vpush v4, $0x0;
	_ =	sdelay $0xe  }
0x8e: {  	s7 =	spop (v2sf)  }
0x8f: {  	s7 =	ssub.s32 s7, s0  }
0x90: {  	s7 =	sadd.s32 $0x7F, s7  }
0x91: {  	s10 =	sand.u32 $0x7F, s7  }
0x92: {  	s29 =	sshra.s32 s7, $0x1F;
	p1 =	slt.s32 s7, $0x1;
	p0 =	sne.s32 s10, $0x0  }
0x93: {  	s10 =	sshrl.u32 s29, $0x19;
	p0 =	por !p1, !p0  }
0x94: {  	s7 =	sadd.s32 s10, s7;
	s10 =	simm.s32 $0x1;
	p0 =	por !p0, !p0  }
0x95: {  	s7 =	sshra.s32 s7, $0x7;
	s10 =	simm.s32 @!p0 $0x0  }
0x96: {  	s28 =	ssub.s32 s7, s10  }
0x97: {  	p0 =	slt.s32 s28, $0x1  }
.Ltmp4:
0x98: {  	_ = 	snop;
	(pc) =	sbr.rel @p0 .LBB2_10-.Ltmp4, $4  }
0x99: {  	v4 =	vnsel vm0, $0x6200, v5  }
0x9a: {  	v5 =	vnsel vm0, $0x0, v6;
	[tilespmem:s2+$0x9D0] =	vst v4  }
0x9b: {  	s31 =	simm.s32 $0x850;
	[tilespmem:s2+$0x850] =	vst v5  }
0x9c: {  	[tilespmem:s25], [sflag:$0x1] =	stream.indirect.gather [hbm4b:s1+s30], $0x40, s31, s30, $0xb8;
	[tilespmem:$0x1F390] =	vst v63  }
0x9d: {  	s15 =	sadd.s32 $0x80, s0;
	s2 =	simm.s32 $0x0;
	s31 =	simm.s32 $0x8D0  }
0x9e: {  	s7 =	simm.s32 $0x1;
	s10 =	simm.s32 $0xA50;
	s11 =	simm.s32 $0x1  }
.LBB2_7:
0x9f: {  	s13 =	smov.u32 s2;
	s2 =	sadd.s32 $0x1, s2  }
0xa0: {  	s12 =	smulhi.u32 $0xAAAAAAAB, s2;
	_ =	sdelay $0x1  }
0xa1: {  	s12 =	sshrl.u32 s12, $0x1  }
0xa2: {  	s12 =	smul.u32 $0x3, s12;
	_ =	sdelay $0x1  }
0xa3: {  	p1 =	slt.u32 s13, $0x2;
	s12 =	ssub.s32 s2, s12  }
0xa4: {  	s16 =	sand.u32 $0x7, s2;
	s29 =	sshll.u32 s2, $0x7;
	s14 =	sadd.s32 @!p1 $0x4, s12  }
0xa5: {  	p0 =	sne.s32 s16, $0x0;
	s16 =	sadd.s32 s0, s29;
	_ =	swait.ge @!p1 [sflag:s14], $0x2000  }
0xa6: {  	s16 =	sshrl.u32 @!p0 s16, $0x3;
	s17 =	simm.s32 @!p0 $0x0;
	[sflag:s14] =	ssyncset.done @!p1 $0x0  }
0xa7: {  	s18 =	simm.s32 @!p0 $0x50;
	s29 =	sadd.s32 @!p0 s5, s16;
	[sflag:s14] =	ssyncadd.s32 @!p1 $0xFFFFE000  }
0xa8: {  	[tilespmem:s18], [sflag:$0x7] =	stream.linear.gather @!p0 [hbm4b:s29+s17], $0x400, $0x38;
	[tilespmem:$0x1F390] =	vst v63  }
0xa9: {  	s19 =	smulhi.u32 $0xAAAAAAAB, s11;
	s20 =	sshll.u32 s7, $0x7;
	s29 =	simm.s32 @!p0 $0x7  }
0xaa: {  	s16 =	sadd.s32 @!p0 s6, s16;
	s18 =	sand.u32 $0x380, s20;
	_ =	swait.ge @!p0 [sflag:s29], $0x400  }
0xab: {  	s14 =	sshrl.u32 s19, $0x1;
	s19 =	sor.u32 $0x50, s18;
	[sflag:s29] =	ssyncset.done @!p0 $0x0  }
0xac: {  	s20 =	simm.s32 @!p0 $0x450;
	s18 =	sor.u32 $0x450, s18;
	v5 =	vmov s19;
	[sflag:s29] =	ssyncadd.s32 @!p0 $0xFFFFFC00  }
0xad: {  	v6 =	vmov s18;
	[tilespmem:s20], [sflag:$0x7] =	stream.linear.gather @!p0 [hbm4b:s16+s17], $0x400, $0x38;
	[tilespmem:$0x1F390] =	vst v63  }
0xae: {  	s14 =	smul.u32 $0xFFFFFA00, s14;
	_ =	swait.ge @!p0 [sflag:s29], $0x400  }
0xaf: {  	[sflag:s29] =	ssyncset.done @!p0 $0x0  }
0xb0: {  	s14 =	sshra.s32 s14, $0x2;
	s16 =	simm.s32 $0x0;
	[sflag:s29] =	ssyncadd.s32 @!p0 $0xFFFFFC00  }
0xb1: {  	s18 =	sadd.s32 s14, s31;
	v8 =	vld.idx.msk [tilespmem:v5+s16+$0x0 ss:$0x1], $0xffff  }
0xb2: {  	s14 =	sadd.s32 s14, s10;
	v7 =	vmov s18;
	v9 =	vld.idx.msk [tilespmem:v6+s16+$0x0 ss:$0x1], $0xffff  }
0xb3: {  	v10 =	vadd.s32 s15, v1;
	v4 =	vmov s14  }
0xb4: {  	vm0 =	vge.s32 v10, v2;
	vm1 =	vlt.s32 v10, v3;
	s19 =	smulhi.u32 $0xAAAAAAAB, s13  }
0xb5: {  	vm0 =	vmand vm0, vm1  }
0xb6: {  	s14 =	sshrl.u32 s19, $0x1;
	v8 =	vnsel vm0, $0x0, v8  }
0xb7: {  	s20 =	smul.u32 $0x3, s14;
	[tilespmem:v7+s16+$0x0 ss:$0x1] =	vst.idx.msk $0xffff, v8;
	v8 =	vnsel vm0, $0x6200, v9  }
0xb8: {  	s14 =	simm.s32 $0x10;
	[tilespmem:v4+s16+$0x0 ss:$0x1] =	vst.idx.msk $0xffff, v8  }
0xb9: {  	s13 =	ssub.s32 s13, s20;
	s29 =	smov.u32 s15;
	s16 =	simm.s32 $0x80;
	v8 =	vld.idx.msk [tilespmem:v5+s14+$0x0 ss:$0x1], $0xffff  }
.LBB2_8:
0xba: {  	p0 =	sne.s32 s16, $0x1C0;
	v9 =	vld.idx.msk [tilespmem:v6+s14+$0x0 ss:$0x1], $0xffff  }
0xbb: {  	s29 =	sadd.s32 $0x10, s29  }
0xbc: {  	v10 =	vadd.s32 s29, v1  }
0xbd: {  	vm0 =	vge.s32 v10, v2;
	vm1 =	vlt.s32 v10, v3  }
.Ltmp5:
0xbe: {  	vm0 =	vmand vm0, vm1;
	(pc) =	sbr.rel @p0 .LBB2_8-.Ltmp5, $4  }
0xbf: {  	v8 =	vnsel vm0, $0x0, v8  }
0xc0: {  	[tilespmem:v7+s14+$0x0 ss:$0x1] =	vst.idx.msk $0xffff, v8;
	v8 =	vnsel vm0, $0x6200, v9  }
0xc1: {  	[tilespmem:v4+s14+$0x0 ss:$0x1] =	vst.idx.msk $0xffff, v8;
	s14 =	sshra.s32 s16, $0x2  }
0xc2: {  	s16 =	sadd.s32 $0x40, s16;
	v8 =	vld.idx.msk [tilespmem:v5+s14+$0x0 ss:$0x1], $0xffff  }
0xc3: {  	_ =	sdelay $0x3  }
0xc4: {  	v5 =	vld.idx.msk [tilespmem:v6+s14+$0x0 ss:$0x1], $0xffff;
	s16 =	sadd.s32 $0x10, s29  }
0xc5: {  	v62 =	vadd.s32 s16, v1  }
0xc6: {  	s18 =	sshll.u32 s12, $0xD;
	vm0 =	vge.s32 v62, v2;
	vm1 =	vlt.s32 v62, v3  }
0xc7: {  	s17 =	sshll.u32 s12, $0x7;
	s29 =	sadd.s32 $0x1, s12;
	s31 =	sadd.s32 $0x80, s31;
	vm0 =	vmand vm0, vm1  }
0xc8: {  	s11 =	sadd.s32 $0x1, s11;
	p0 =	sne.s32 s2, s28;
	s10 =	sadd.s32 $0x80, s10;
	v63 =	vnsel vm0, $0x0, v8  }
0xc9: {  	s7 =	sadd.s32 $0x1, s7;
	s16 =	sand.u32 $0x3FFFE000, s18;
	s17 =	sand.u32 $0x3FFFFF80, s17;
	[tilespmem:v7+s14+$0x0 ss:$0x1] =	vst.idx.msk $0xffff, v63;
	v5 =	vnsel vm0, $0x6200, v5  }
0xca: {  	s15 =	sadd.s32 $0x80, s15;
	s19 =	sor.u32 $0xB50, s16;
	s20 =	sadd.s32 $0x850, s17;
	[tilespmem:v4+s14+$0x0 ss:$0x1] =	vst.idx.msk $0xffff, v5  }
0xcb: {  	[tilespmem:s19], [sflag:s29] =	stream.indirect.gather [hbm4b:s1+s30], $0x40, s20, s30, $0xb8;
	[tilespmem:$0x1F390] =	vst v63  }
.Ltmp6:
0xcc: {  	s18 =	sadd.s32 $0x1, s13;
	s17 =	sshll.u32 s13, $0xD;
	(pc) =	sbr.rel @p0 .LBB2_7-.Ltmp6, $4  }
0xcd: {  	s12 =	sand.u32 $0x3FFFE000, s17;
	s19 =	sshll.u32 s13, $0x7;
	_ =	swait.ge [sflag:s18], $0x2000  }
0xce: {  	s12 =	sor.u32 $0xB50, s12;
	s16 =	sand.u32 $0x3FFFFF80, s19;
	[sflag:s18] =	ssyncset.done $0x0  }
0xcf: {  	s29 =	sadd.s32 $0x4, s13;
	s20 =	sadd.s32 $0x9D0, s16;
	[sflag:s18] =	ssyncadd.s32 $0xFFFFE000  }
0xd0: {  	[spmem:s3] =	stream.indirect.scatter.add.f32 [tilespmem:s12], [sflag:s29], $0x40, s20, s30, $0xb8;
	[tilespmem:$0x1F390] =	vst v63  }
.LBB2_10:
0xd1: {  	s0 =	smulhi.u32 $0x55555556, s28;
	s2 =	sshra.s32 s28, $0x1F  }
0xd2: {  	s2 =	smul.u32 $0x55555556, s2;
	_ =	sdelay $0x1  }
0xd3: {  	s0 =	sadd.s32 s2, s0  }
0xd4: {  	s2 =	sshrl.u32 s0, $0x1F  }
0xd5: {  	s0 =	sadd.s32 s2, s0  }
0xd6: {  	s0 =	smul.u32 $0x3, s0  }
0xd7: {  	p0 =	slt.s32 s28, $0x2  }
.Ltmp7:
0xd8: {  	s0 =	ssub.s32 s28, s0;
	(pc) =	sbr.rel @!p0 .LBB2_11-.Ltmp7, $4  }
0xd9: {  	s0 =	sadd.s32 $0x1, s0  }
0xda: {  	_ =	swait.ge [sflag:s0], $0x2000  }
0xdb: {  	[sflag:s0] =	ssyncset.done $0x0  }
0xdc: {  	[sflag:s0] =	ssyncadd.s32 $0xFFFFE000  }
0xdd: {  	p0 =	sne.s32 s28, $0x1  }
.Ltmp8:
0xde: {  	_ = 	snop;
	(pc) =	sbr.rel @p0 .LBB2_14-.Ltmp8, $4  }
.Ltmp9:
0xdf: {  	_ = 	snop;
	(pc) =	sbr.rel @!p0 .LBB2_13-.Ltmp9, $4  }
0xe0: {  	_ = 	snop  }
0xe1: {  	_ = 	snop  }
0xe2: {  	_ = 	snop  }
0xe3: {  	_ = 	snop  }
.LBB2_15:
0xe4: {  	_ =	sfence.sel $0x180000  }
0xe5: {  	[bflag:$0x0] =	sbarrier.arrive $0xFFFF  }
0xe6: {  	_ =	strace $0x90000047  }
0xe7: {  	s0 =	stileid.u32;
	[bflag:$0x2] =	sbarrier.arrive $0xFFFF  }
0xe8: {  	p0 =	sne.s32 s0, $0x0;
	s0 =	rddreg [dreg:$0x3]  }
0xe9: {  	s0 =	sadd.s32 @!p0 $0x100000, s0  }
0xea: {  	[sflag:s0] =	ssyncadd.tile.s32 @!p0 $0x1;
	_ =	shalt  }
.Lfunc_end2:
_tile_overlayer_lowered:
.L_overlay_start_2:
0xeb: {  	(tag) =	ssettag $0x2  }
0xec: {  	s0 =	rddreg [dreg:$0x0];
	s2 =	stileid.u32  }
0xed: {  	s1 =	rddreg [dreg:$0x1];
	p0 =	sne.s32 s2, $0x0  }
0xee: {  	s3 =	rddreg [dreg:$0x2];
	[bflag:$0x3] =	sbarrier.arrive $0xFFFF;
	s2 =	simm.s32 @!p0 $0x1C07  }
0xef: {  	[timem:s3], [sflag:s2] =	dma.local @!p0 [hbm:s0], s1  }
0xf0: {  	s0 =	simm.s32 @!p0 $0x7  }
0xf1: {  	_ =	swait.ge @!p0 [sflag:s0], s1  }
0xf2: {  	s1 =	ssub.s32 @!p0 $0x0, s1;
	[sflag:s0] =	ssyncset.done @!p0 $0x0  }
0xf3: {  	[sflag:s0] =	ssyncadd.s32 @!p0 s1  }
0xf4: {  	[bflag:$0x3] =	sbarrier.arrive $0xFFFF  }
0xf5: {  	_ =	shalt  }

</sc_bundles>
